<compile_context>
chip_gen: v7x
topology: tpu7x:2x2x1
jax: 0.10.2.dev20260603
libtpu: 0.0.44.dev20260713+nightly
codegen_flags: <defaults>
</compile_context>

<pallas_src>
import functools

import jax
import jax.numpy as jnp
from jax import lax
from jax.experimental import pallas as pl
from jax.experimental.pallas import tpu as pltpu
from jax.experimental.pallas import tpu_sc as plsc

N = 10000
E = 320000
D = 128
H = 128

NC = 2
NS = 16
NW = NC * NS

NPAD = 10240
SLICE = NPAD // NS
B = 128
NCHUNK = E // B
FULL = NCHUNK // NW
EXTRA = NCHUNK - FULL * NW

_mesh = plsc.VectorSubcoreMesh(
    core_axis_name="c", subcore_axis_name="s", num_cores=NC, num_subcores=NS)


def _deg_kernel(src_hbm, dst_hbm, zeros_hbm, ones_hbm, out_hbm,
                idx_s, idx_d, ones_v, bins_o, bins_i, sem):
    cid = lax.axis_index("c")
    sid = lax.axis_index("s")
    wid = cid * NS + sid

    pltpu.sync_copy(zeros_hbm, bins_o.at[pl.ds(sid * SLICE, SLICE)])
    pltpu.sync_copy(zeros_hbm, bins_i.at[pl.ds(sid * SLICE, SLICE)])
    pltpu.sync_copy(ones_hbm, ones_v)
    plsc.subcore_barrier()

    def chunk_body(chunk):
        base = chunk * B
        pltpu.sync_copy(src_hbm.at[pl.ds(base, B)], idx_s)
        pltpu.sync_copy(dst_hbm.at[pl.ds(base, B)], idx_d)
        pltpu.sync_copy(ones_v, bins_o.at[idx_s], add=True)
        pltpu.sync_copy(ones_v, bins_i.at[idx_d], add=True)

    def loop_body(j, _):
        chunk_body(wid + NW * j)
        return _

    lax.fori_loop(0, FULL, loop_body, None)

    @pl.when(wid < EXTRA)
    def _():
        chunk_body(NW * FULL + wid)

    plsc.subcore_barrier()
    pltpu.sync_copy(bins_o.at[pl.ds(sid * SLICE, SLICE)],
                    out_hbm.at[cid, 0, pl.ds(sid * SLICE, SLICE)])
    pltpu.sync_copy(bins_i.at[pl.ds(sid * SLICE, SLICE)],
                    out_hbm.at[cid, 1, pl.ds(sid * SLICE, SLICE)])


def _agg_kernel(h_hbm, src_hbm, dst_hbm, zeros_hbm, out_hbm,
                idx_s, idx_d, rows, acc, sem):
    cid = lax.axis_index("c")
    sid = lax.axis_index("s")
    wid = cid * NS + sid

    pltpu.sync_copy(zeros_hbm, acc.at[pl.ds(sid * SLICE, SLICE)])
    plsc.subcore_barrier()

    def chunk_body(chunk):
        base = chunk * B
        pltpu.sync_copy(src_hbm.at[pl.ds(base, B)], idx_s)
        pltpu.sync_copy(dst_hbm.at[pl.ds(base, B)], idx_d)
        pltpu.async_copy(h_hbm.at[idx_s], rows, sem).wait()
        pltpu.sync_copy(rows, acc.at[idx_d], add=True)

    def loop_body(j, _):
        chunk_body(wid + NW * j)
        return _

    lax.fori_loop(0, FULL, loop_body, None)

    @pl.when(wid < EXTRA)
    def _():
        chunk_body(NW * FULL + wid)

    plsc.subcore_barrier()
    pltpu.sync_copy(acc.at[pl.ds(sid * SLICE, SLICE)],
                    out_hbm.at[cid, pl.ds(sid * SLICE, SLICE)])


def _sc_degrees(src, dst):
    zeros = jnp.zeros((SLICE,), jnp.float32)
    ones = jnp.ones((B,), jnp.float32)
    f = functools.partial(
        pl.kernel,
        out_type=jax.ShapeDtypeStruct((NC, 2, NPAD), jnp.float32),
        mesh=_mesh,
        scratch_types=[
            pltpu.VMEM((B,), jnp.int32),
            pltpu.VMEM((B,), jnp.int32),
            pltpu.VMEM((B,), jnp.float32),
            pltpu.VMEM_SHARED((NPAD,), jnp.float32),
            pltpu.VMEM_SHARED((NPAD,), jnp.float32),
            pltpu.SemaphoreType.DMA,
        ],
    )(_deg_kernel)
    return f(src, dst, zeros, ones)


def _sc_aggregate(h, src, dst):
    zeros = jnp.zeros((SLICE, H), jnp.float32)
    f = functools.partial(
        pl.kernel,
        out_type=jax.ShapeDtypeStruct((NC, NPAD, H), jnp.float32),
        mesh=_mesh,
        scratch_types=[
            pltpu.VMEM((B,), jnp.int32),
            pltpu.VMEM((B,), jnp.int32),
            pltpu.VMEM((B, H), jnp.float32),
            pltpu.VMEM_SHARED((NPAD, H), jnp.float32),
            pltpu.SemaphoreType.DMA,
        ],
    )(_agg_kernel)
    return f(h, src, dst, zeros)


ROWS_BLK = 1024
GRID = NPAD // ROWS_BLK


def _tc1_body(dp00, dp01, dp10, dp11, x, w, h, ns, nd):
    deg_o = dp00[...] + dp10[...]
    deg_i = dp01[...] + dp11[...]
    ns_v = lax.rsqrt(jnp.maximum(deg_o, 1.0))
    nd_v = lax.rsqrt(jnp.maximum(deg_i, 1.0))
    ns[...] = ns_v
    nd[...] = nd_v
    h[...] = jnp.dot(x[...] * ns_v, w[...], preferred_element_type=jnp.float32)


def _tc1(deg_parts, x_pad, w1):
    dp = [deg_parts[c, i].reshape(NPAD, 1) for c in range(NC) for i in range(2)]
    col = pl.BlockSpec((ROWS_BLK, 1), lambda i: (i, 0))
    mat = pl.BlockSpec((ROWS_BLK, D), lambda i: (i, 0))
    wsp = pl.BlockSpec((D, H), lambda i: (0, 0))
    return pl.pallas_call(
        _tc1_body,
        grid=(GRID,),
        in_specs=[col, col, col, col, mat, wsp],
        out_specs=[mat, col, col],
        out_shape=[
            jax.ShapeDtypeStruct((NPAD, H), jnp.float32),
            jax.ShapeDtypeStruct((NPAD, 1), jnp.float32),
            jax.ShapeDtypeStruct((NPAD, 1), jnp.float32),
        ],
    )(dp[0], dp[1], dp[2], dp[3], x_pad, w1)


def _tc2_body(a, ns, nd, b1, w, h):
    agg = a[0] + a[1]
    x2 = jnp.maximum(agg * nd[...] + b1[...], 0.0)
    h[...] = jnp.dot(x2 * ns[...], w[...], preferred_element_type=jnp.float32)


def _tc2(agg_parts, ns, nd, b1, w2):
    asp = pl.BlockSpec((NC, ROWS_BLK, H), lambda i: (0, i, 0))
    col = pl.BlockSpec((ROWS_BLK, 1), lambda i: (i, 0))
    bsp = pl.BlockSpec((1, H), lambda i: (0, 0))
    wsp = pl.BlockSpec((D, H), lambda i: (0, 0))
    mat = pl.BlockSpec((ROWS_BLK, H), lambda i: (i, 0))
    return pl.pallas_call(
        _tc2_body,
        grid=(GRID,),
        in_specs=[asp, col, col, bsp, wsp],
        out_specs=mat,
        out_shape=jax.ShapeDtypeStruct((NPAD, H), jnp.float32),
    )(agg_parts, ns, nd, b1.reshape(1, H), w2)


def _tc3_body(a, nd, b2, out):
    agg = a[0] + a[1]
    out[...] = agg * nd[...] + b2[...]


def _tc3(agg_parts, nd, b2):
    asp = pl.BlockSpec((NC, ROWS_BLK, H), lambda i: (0, i, 0))
    col = pl.BlockSpec((ROWS_BLK, 1), lambda i: (i, 0))
    bsp = pl.BlockSpec((1, H), lambda i: (0, 0))
    mat = pl.BlockSpec((ROWS_BLK, H), lambda i: (i, 0))
    return pl.pallas_call(
        _tc3_body,
        grid=(GRID,),
        in_specs=[asp, col, bsp],
        out_specs=mat,
        out_shape=jax.ShapeDtypeStruct((NPAD, H), jnp.float32),
    )(agg_parts, nd, b2.reshape(1, H))


def kernel(in_feat, edge_index, W1, b1, W2, b2):
    src = edge_index[0]
    dst = edge_index[1]

    deg_parts = _sc_degrees(src, dst)

    x_pad = jnp.zeros((NPAD, D), jnp.float32).at[:N].set(in_feat)
    h1, ns, nd = _tc1(deg_parts, x_pad, W1)

    agg1 = _sc_aggregate(h1, src, dst)
    h2 = _tc2(agg1, ns, nd, b1, W2)

    agg2 = _sc_aggregate(h2, src, dst)
    out = _tc3(agg2, nd, b2)
    return out[:N]

# --- scband reference (transcript-rebuilt; emitter-appended) ---
"""Pipeline reference for scband-gcn-48670569398724 (READ-ONLY COPY).

The authoritative reference and input builder live on the scoring server;
editing this copy changes nothing except your own understanding.
"""

import jax, jax.numpy as jnp
import numpy as np

N = 10000
E = 320000
D = 128
H = 128


def setup_inputs(seed: int = 0) -> dict:
    key = jax.random.key(seed)
    k1, k2, k3, k4 = jax.random.split(key, 4)
    in_feat = jax.random.normal(k1, (N, D), dtype=jnp.float32)
    edge_index = jax.random.randint(k2, (2, E), 0, N, dtype=jnp.int32)
    W1 = jax.random.normal(k3, (D, H), dtype=jnp.float32) * 0.05
    b1 = jnp.zeros((H,), dtype=jnp.float32)
    W2 = jax.random.normal(k4, (H, H), dtype=jnp.float32) * 0.05
    b2 = jnp.zeros((H,), dtype=jnp.float32)
    return {"in_feat": in_feat, "edge_index": edge_index, "W1": W1, "b1": b1, "W2": W2, "b2": b2}


def _graph_conv(x, src, dst, W, b):
    # DGL GraphConv with norm='both': h = D_dst^{-1/2} A D_src^{-1/2} X W + b
    ones = jnp.ones((src.shape[0],), dtype=x.dtype)
    deg_out = jax.ops.segment_sum(ones, src, num_segments=N)
    deg_in = jax.ops.segment_sum(ones, dst, num_segments=N)
    norm_src = jnp.clip(deg_out, 1.0, None) ** -0.5
    norm_dst = jnp.clip(deg_in, 1.0, None) ** -0.5
    h = x * norm_src[:, None]
    # project first (in_feats >= out_feats path in DGL), then aggregate
    h = h @ W
    m = jnp.take(h, src, axis=0)
    agg = jax.ops.segment_sum(m, dst, num_segments=N)
    agg = agg * norm_dst[:, None]
    return agg + b


def reference(in_feat, edge_index, W1, b1, W2, b2):
    src = edge_index[0]
    dst = edge_index[1]
    h = jax.nn.relu(_graph_conv(in_feat, src, dst, W1, b1))
    h = _graph_conv(h, src, dst, W2, b2)
    return h

if __name__ == "__main__":
    import jax
    _d = setup_inputs()
    print(jax.jit(kernel)(*tuple(_d.values())))

</pallas_src>

<mosaic_0001>
#map = affine_map<(d0, d1) -> (0, 0)>
#map1 = affine_map<(d0, d1) -> (0)>
#map2 = affine_map<(d0, d1) -> (0, 0, 0)>
module attributes {stable_mosaic.version = 14 : i64} {
  func.func @_agg_kernel(%arg0: i32, %arg1: i32, %arg2: memref<10240x128xf32, #tpu.memory_space<hbm>>, %arg3: memref<320000xi32, #tpu.memory_space<hbm>>, %arg4: memref<320000xi32, #tpu.memory_space<hbm>>, %arg5: memref<640x128xf32, #tpu.memory_space<hbm>>, %arg6: memref<2x10240x128xf32, #tpu.memory_space<hbm>>, %arg7: memref<128xi32, #tpu.memory_space<vmem>>, %arg8: memref<128xi32, #tpu.memory_space<vmem>>, %arg9: memref<128x128xf32, #tpu.memory_space<vmem>>, %arg10: memref<10240x128xf32, #tpu.memory_space<vmem_shared>>, %arg11: memref<!tpu.dma_semaphore, #tpu.memory_space<semaphore_mem>>) attributes {dimension_semantics = [#tpu.dimension_semantics<core_parallel>, #tpu.dimension_semantics<subcore_parallel>], iteration_bounds = array<i64: 2, 16>, scalar_prefetch = 0 : i64, scratch_operands = 5 : i64, tpu.core_type = #tpu.core_type<sc_vector_subcore>, window_params = [{transform_indices = #map}, {transform_indices = #map1}, {transform_indices = #map1}, {transform_indices = #map}, {transform_indices = #map2}]} {
    %mul3A = arith.constant 16 : i32
    %mul3A_0 = arith.muli %arg0, %mul3A : i32
    %add3A = arith.addi %mul3A_0, %arg1 : i32
    %mul3A_1 = arith.constant 640 : i32
    %mul3A_2 = arith.muli %arg1, %mul3A_1 : i32
    "tpu.region"() ({
      %run_scoped3A = tpu.sem_alloc : memref<!tpu.dma_semaphore, #tpu.memory_space<semaphore_mem>>
      %dma_start3A = arith.constant 0 : i32
      %dma_start3A_14 = tpu.memref_slice %arg10[%mul3A_2, %dma_start3A] : memref<10240x128xf32, #tpu.memory_space<vmem_shared>> -> memref<640x128xf32, #tpu.memory_space<vmem_shared>>
      tpu.enqueue_dma source(%arg5 : memref<640x128xf32, #tpu.memory_space<hbm>>) target(%dma_start3A_14 : memref<640x128xf32, #tpu.memory_space<vmem_shared>>) target_semaphore(%run_scoped3A : memref<!tpu.dma_semaphore, #tpu.memory_space<semaphore_mem>>)
      %dma_wait3A = arith.constant 0 : i32
      %dma_wait3A_15 = tpu.memref_slice %arg10[%mul3A_2, %dma_wait3A] : memref<10240x128xf32, #tpu.memory_space<vmem_shared>> -> memref<640x128xf32, #tpu.memory_space<vmem_shared>>
      tpu.wait_dma2 semaphore(%run_scoped3A : memref<!tpu.dma_semaphore, #tpu.memory_space<semaphore_mem>>) src(%arg5 : memref<640x128xf32, #tpu.memory_space<hbm>>) dst(%dma_wait3A_15 : memref<640x128xf32, #tpu.memory_space<vmem_shared>>)
      tpu.yield
    }) : () -> ()
    %barrier3A = arith.constant 0 : index
    tpu.barrier barrier_id(%barrier3A)
    %scan3A = arith.constant 0 : i32
    %scan3A_3 = arith.constant 78 : i32
    %scan3A_4 = arith.addi %scan3A, %scan3A_3 : i32
    %scan3A_5 = arith.constant 1 : i32
    scf.for %scan3A_14 = %scan3A to %scan3A_4 step %scan3A_5  : i32 {
      %mul3A_15 = arith.constant 32 : i32
      %mul3A_16 = arith.muli %mul3A_15, %scan3A_14 : i32
      %add3A_17 = arith.addi %add3A, %mul3A_16 : i32
      %mul3A_18 = arith.constant 128 : i32
      %mul3A_19 = arith.muli %add3A_17, %mul3A_18 : i32
      "tpu.region"() ({
        %run_scoped3A = tpu.sem_alloc : memref<!tpu.dma_semaphore, #tpu.memory_space<semaphore_mem>>
        %dma_start3A_24 = tpu.memref_slice %arg3[%mul3A_19] : memref<320000xi32, #tpu.memory_space<hbm>> -> memref<128xi32, #tpu.memory_space<hbm>>
        %dma_start3A_25 = tpu.memref_slice %arg3[%mul3A_19] : memref<320000xi32, #tpu.memory_space<hbm>> -> memref<128xi32, #tpu.memory_space<hbm>>
        tpu.enqueue_dma source(%dma_start3A_25 : memref<128xi32, #tpu.memory_space<hbm>>) target(%arg7 : memref<128xi32, #tpu.memory_space<vmem>>) target_semaphore(%run_scoped3A : memref<!tpu.dma_semaphore, #tpu.memory_space<semaphore_mem>>)
        %dma_wait3A_26 = tpu.memref_slice %arg3[%mul3A_19] : memref<320000xi32, #tpu.memory_space<hbm>> -> memref<128xi32, #tpu.memory_space<hbm>>
        %dma_wait3A_27 = tpu.memref_slice %arg3[%mul3A_19] : memref<320000xi32, #tpu.memory_space<hbm>> -> memref<128xi32, #tpu.memory_space<hbm>>
        tpu.wait_dma2 semaphore(%run_scoped3A : memref<!tpu.dma_semaphore, #tpu.memory_space<semaphore_mem>>) src(%dma_wait3A_27 : memref<128xi32, #tpu.memory_space<hbm>>) dst(%arg7 : memref<128xi32, #tpu.memory_space<vmem>>)
        tpu.yield
      }) : () -> ()
      "tpu.region"() ({
        %run_scoped3A = tpu.sem_alloc : memref<!tpu.dma_semaphore, #tpu.memory_space<semaphore_mem>>
        %dma_start3A_24 = tpu.memref_slice %arg4[%mul3A_19] : memref<320000xi32, #tpu.memory_space<hbm>> -> memref<128xi32, #tpu.memory_space<hbm>>
        %dma_start3A_25 = tpu.memref_slice %arg4[%mul3A_19] : memref<320000xi32, #tpu.memory_space<hbm>> -> memref<128xi32, #tpu.memory_space<hbm>>
        tpu.enqueue_dma source(%dma_start3A_25 : memref<128xi32, #tpu.memory_space<hbm>>) target(%arg8 : memref<128xi32, #tpu.memory_space<vmem>>) target_semaphore(%run_scoped3A : memref<!tpu.dma_semaphore, #tpu.memory_space<semaphore_mem>>)
        %dma_wait3A_26 = tpu.memref_slice %arg4[%mul3A_19] : memref<320000xi32, #tpu.memory_space<hbm>> -> memref<128xi32, #tpu.memory_space<hbm>>
        %dma_wait3A_27 = tpu.memref_slice %arg4[%mul3A_19] : memref<320000xi32, #tpu.memory_space<hbm>> -> memref<128xi32, #tpu.memory_space<hbm>>
        tpu.wait_dma2 semaphore(%run_scoped3A : memref<!tpu.dma_semaphore, #tpu.memory_space<semaphore_mem>>) src(%dma_wait3A_27 : memref<128xi32, #tpu.memory_space<hbm>>) dst(%arg8 : memref<128xi32, #tpu.memory_space<vmem>>)
        tpu.yield
      }) : () -> ()
      %dma_start3A = arith.constant 0 : i32
      %dma_start3A_20 = arith.constant 0 : i32
      %dma_start3A_21 = tpu.memref_slice %arg2[%dma_start3A, %dma_start3A_20] : memref<10240x128xf32, #tpu.memory_space<hbm>> -> memref<10240x128xf32, #tpu.memory_space<hbm>>
      tpu.enqueue_indirect_dma source(%dma_start3A_21 : memref<10240x128xf32, #tpu.memory_space<hbm>>) target(%arg9 : memref<128x128xf32, #tpu.memory_space<vmem>>) offsets(%arg7 : memref<128xi32, #tpu.memory_space<vmem>>) semaphore(%arg11 : memref<!tpu.dma_semaphore, #tpu.memory_space<semaphore_mem>>)
      %dma_wait3A = arith.constant 0 : i32
      %dma_wait3A_22 = arith.constant 0 : i32
      %dma_wait3A_23 = tpu.memref_slice %arg2[%dma_wait3A, %dma_wait3A_22] : memref<10240x128xf32, #tpu.memory_space<hbm>> -> memref<10240x128xf32, #tpu.memory_space<hbm>>
      tpu.wait_indirect_dma semaphore(%arg11 : memref<!tpu.dma_semaphore, #tpu.memory_space<semaphore_mem>>) src(%dma_wait3A_23 : memref<10240x128xf32, #tpu.memory_space<hbm>>) dst(%arg9 : memref<128x128xf32, #tpu.memory_space<vmem>>)
      "tpu.region"() ({
        %run_scoped3A = tpu.sem_alloc : memref<!tpu.dma_semaphore, #tpu.memory_space<semaphore_mem>>
        %dma_start3A_24 = arith.constant 0 : i32
        %dma_start3A_25 = arith.constant 0 : i32
        %dma_start3A_26 = tpu.memref_slice %arg10[%dma_start3A_24, %dma_start3A_25] : memref<10240x128xf32, #tpu.memory_space<vmem_shared>> -> memref<10240x128xf32, #tpu.memory_space<vmem_shared>>
        tpu.enqueue_indirect_dma source(%arg9 : memref<128x128xf32, #tpu.memory_space<vmem>>) target(%dma_start3A_26 : memref<10240x128xf32, #tpu.memory_space<vmem_shared>>) offsets(%arg8 : memref<128xi32, #tpu.memory_space<vmem>>) semaphore(%run_scoped3A : memref<!tpu.dma_semaphore, #tpu.memory_space<semaphore_mem>>) {add = true}
        %dma_wait3A_27 = arith.constant 0 : i32
        %dma_wait3A_28 = arith.constant 0 : i32
        %dma_wait3A_29 = tpu.memref_slice %arg10[%dma_wait3A_27, %dma_wait3A_28] : memref<10240x128xf32, #tpu.memory_space<vmem_shared>> -> memref<10240x128xf32, #tpu.memory_space<vmem_shared>>
        tpu.wait_indirect_dma semaphore(%run_scoped3A : memref<!tpu.dma_semaphore, #tpu.memory_space<semaphore_mem>>) src(%arg9 : memref<128x128xf32, #tpu.memory_space<vmem>>) dst(%dma_wait3A_29 : memref<10240x128xf32, #tpu.memory_space<vmem_shared>>)
        tpu.yield
      }) : () -> ()
    }
    %scan3A_6 = arith.constant 78 : i32
    %lt3A = arith.constant 4 : i32
    %lt3A_7 = arith.cmpi slt, %add3A, %lt3A : i32
    %convert_element_type3A = arith.extui %lt3A_7 : i1 to i32
    %cond3A = arith.constant 0 : i32
    %cond3A_8 = arith.cmpi ne, %convert_element_type3A, %cond3A : i32
    scf.if %cond3A_8 {
      %add3A_14 = arith.constant 2496 : i32
      %add3A_15 = arith.addi %add3A_14, %add3A : i32
      %mul3A_16 = arith.constant 128 : i32
      %mul3A_17 = arith.muli %add3A_15, %mul3A_16 : i32
      "tpu.region"() ({
        %run_scoped3A = tpu.sem_alloc : memref<!tpu.dma_semaphore, #tpu.memory_space<semaphore_mem>>
        %dma_start3A_22 = tpu.memref_slice %arg3[%mul3A_17] : memref<320000xi32, #tpu.memory_space<hbm>> -> memref<128xi32, #tpu.memory_space<hbm>>
        %dma_start3A_23 = tpu.memref_slice %arg3[%mul3A_17] : memref<320000xi32, #tpu.memory_space<hbm>> -> memref<128xi32, #tpu.memory_space<hbm>>
        tpu.enqueue_dma source(%dma_start3A_23 : memref<128xi32, #tpu.memory_space<hbm>>) target(%arg7 : memref<128xi32, #tpu.memory_space<vmem>>) target_semaphore(%run_scoped3A : memref<!tpu.dma_semaphore, #tpu.memory_space<semaphore_mem>>)
        %dma_wait3A_24 = tpu.memref_slice %arg3[%mul3A_17] : memref<320000xi32, #tpu.memory_space<hbm>> -> memref<128xi32, #tpu.memory_space<hbm>>
        %dma_wait3A_25 = tpu.memref_slice %arg3[%mul3A_17] : memref<320000xi32, #tpu.memory_space<hbm>> -> memref<128xi32, #tpu.memory_space<hbm>>
        tpu.wait_dma2 semaphore(%run_scoped3A : memref<!tpu.dma_semaphore, #tpu.memory_space<semaphore_mem>>) src(%dma_wait3A_25 : memref<128xi32, #tpu.memory_space<hbm>>) dst(%arg7 : memref<128xi32, #tpu.memory_space<vmem>>)
        tpu.yield
      }) : () -> ()
      "tpu.region"() ({
        %run_scoped3A = tpu.sem_alloc : memref<!tpu.dma_semaphore, #tpu.memory_space<semaphore_mem>>
        %dma_start3A_22 = tpu.memref_slice %arg4[%mul3A_17] : memref<320000xi32, #tpu.memory_space<hbm>> -> memref<128xi32, #tpu.memory_space<hbm>>
        %dma_start3A_23 = tpu.memref_slice %arg4[%mul3A_17] : memref<320000xi32, #tpu.memory_space<hbm>> -> memref<128xi32, #tpu.memory_space<hbm>>
        tpu.enqueue_dma source(%dma_start3A_23 : memref<128xi32, #tpu.memory_space<hbm>>) target(%arg8 : memref<128xi32, #tpu.memory_space<vmem>>) target_semaphore(%run_scoped3A : memref<!tpu.dma_semaphore, #tpu.memory_space<semaphore_mem>>)
        %dma_wait3A_24 = tpu.memref_slice %arg4[%mul3A_17] : memref<320000xi32, #tpu.memory_space<hbm>> -> memref<128xi32, #tpu.memory_space<hbm>>
        %dma_wait3A_25 = tpu.memref_slice %arg4[%mul3A_17] : memref<320000xi32, #tpu.memory_space<hbm>> -> memref<128xi32, #tpu.memory_space<hbm>>
        tpu.wait_dma2 semaphore(%run_scoped3A : memref<!tpu.dma_semaphore, #tpu.memory_space<semaphore_mem>>) src(%dma_wait3A_25 : memref<128xi32, #tpu.memory_space<hbm>>) dst(%arg8 : memref<128xi32, #tpu.memory_space<vmem>>)
        tpu.yield
      }) : () -> ()
      %dma_start3A = arith.constant 0 : i32
      %dma_start3A_18 = arith.constant 0 : i32
      %dma_start3A_19 = tpu.memref_slice %arg2[%dma_start3A, %dma_start3A_18] : memref<10240x128xf32, #tpu.memory_space<hbm>> -> memref<10240x128xf32, #tpu.memory_space<hbm>>
      tpu.enqueue_indirect_dma source(%dma_start3A_19 : memref<10240x128xf32, #tpu.memory_space<hbm>>) target(%arg9 : memref<128x128xf32, #tpu.memory_space<vmem>>) offsets(%arg7 : memref<128xi32, #tpu.memory_space<vmem>>) semaphore(%arg11 : memref<!tpu.dma_semaphore, #tpu.memory_space<semaphore_mem>>)
      %dma_wait3A = arith.constant 0 : i32
      %dma_wait3A_20 = arith.constant 0 : i32
      %dma_wait3A_21 = tpu.memref_slice %arg2[%dma_wait3A, %dma_wait3A_20] : memref<10240x128xf32, #tpu.memory_space<hbm>> -> memref<10240x128xf32, #tpu.memory_space<hbm>>
      tpu.wait_indirect_dma semaphore(%arg11 : memref<!tpu.dma_semaphore, #tpu.memory_space<semaphore_mem>>) src(%dma_wait3A_21 : memref<10240x128xf32, #tpu.memory_space<hbm>>) dst(%arg9 : memref<128x128xf32, #tpu.memory_space<vmem>>)
      "tpu.region"() ({
        %run_scoped3A = tpu.sem_alloc : memref<!tpu.dma_semaphore, #tpu.memory_space<semaphore_mem>>
        %dma_start3A_22 = arith.constant 0 : i32
        %dma_start3A_23 = arith.constant 0 : i32
        %dma_start3A_24 = tpu.memref_slice %arg10[%dma_start3A_22, %dma_start3A_23] : memref<10240x128xf32, #tpu.memory_space<vmem_shared>> -> memref<10240x128xf32, #tpu.memory_space<vmem_shared>>
        tpu.enqueue_indirect_dma source(%arg9 : memref<128x128xf32, #tpu.memory_space<vmem>>) target(%dma_start3A_24 : memref<10240x128xf32, #tpu.memory_space<vmem_shared>>) offsets(%arg8 : memref<128xi32, #tpu.memory_space<vmem>>) semaphore(%run_scoped3A : memref<!tpu.dma_semaphore, #tpu.memory_space<semaphore_mem>>) {add = true}
        %dma_wait3A_25 = arith.constant 0 : i32
        %dma_wait3A_26 = arith.constant 0 : i32
        %dma_wait3A_27 = tpu.memref_slice %arg10[%dma_wait3A_25, %dma_wait3A_26] : memref<10240x128xf32, #tpu.memory_space<vmem_shared>> -> memref<10240x128xf32, #tpu.memory_space<vmem_shared>>
        tpu.wait_indirect_dma semaphore(%run_scoped3A : memref<!tpu.dma_semaphore, #tpu.memory_space<semaphore_mem>>) src(%arg9 : memref<128x128xf32, #tpu.memory_space<vmem>>) dst(%dma_wait3A_27 : memref<10240x128xf32, #tpu.memory_space<vmem_shared>>)
        tpu.yield
      }) : () -> ()
    } else {
    }
    %barrier3A_9 = arith.constant 0 : index
    tpu.barrier barrier_id(%barrier3A_9)
    %mul3A_10 = arith.constant 640 : i32
    %mul3A_11 = arith.muli %arg1, %mul3A_10 : i32
    %mul3A_12 = arith.constant 640 : i32
    %mul3A_13 = arith.muli %arg1, %mul3A_12 : i32
    "tpu.region"() ({
      %run_scoped3A = tpu.sem_alloc : memref<!tpu.dma_semaphore, #tpu.memory_space<semaphore_mem>>
      %dma_start3A = arith.constant 0 : i32
      %dma_start3A_14 = tpu.memref_slice %arg6[%arg0, %mul3A_13, %dma_start3A] : memref<2x10240x128xf32, #tpu.memory_space<hbm>> -> memref<1x640x128xf32, #tpu.memory_space<hbm>>
      %dma_start3A_15 = tpu.memref_squeeze %dma_start3A_14 : memref<1x640x128xf32, #tpu.memory_space<hbm>> -> memref<640x128xf32, #tpu.memory_space<hbm>>
      %dma_start3A_16 = arith.constant 0 : i32
      %dma_start3A_17 = tpu.memref_slice %arg10[%mul3A_11, %dma_start3A_16] : memref<10240x128xf32, #tpu.memory_space<vmem_shared>> -> memref<640x128xf32, #tpu.memory_space<vmem_shared>>
      tpu.enqueue_dma source(%dma_start3A_17 : memref<640x128xf32, #tpu.memory_space<vmem_shared>>) target(%dma_start3A_15 : memref<640x128xf32, #tpu.memory_space<hbm>>) target_semaphore(%run_scoped3A : memref<!tpu.dma_semaphore, #tpu.memory_space<semaphore_mem>>)
      %dma_wait3A = arith.constant 0 : i32
      %dma_wait3A_18 = tpu.memref_slice %arg6[%arg0, %mul3A_13, %dma_wait3A] : memref<2x10240x128xf32, #tpu.memory_space<hbm>> -> memref<1x640x128xf32, #tpu.memory_space<hbm>>
      %dma_wait3A_19 = tpu.memref_squeeze %dma_wait3A_18 : memref<1x640x128xf32, #tpu.memory_space<hbm>> -> memref<640x128xf32, #tpu.memory_space<hbm>>
      %dma_wait3A_20 = arith.constant 0 : i32
      %dma_wait3A_21 = tpu.memref_slice %arg10[%mul3A_11, %dma_wait3A_20] : memref<10240x128xf32, #tpu.memory_space<vmem_shared>> -> memref<640x128xf32, #tpu.memory_space<vmem_shared>>
      tpu.wait_dma2 semaphore(%run_scoped3A : memref<!tpu.dma_semaphore, #tpu.memory_space<semaphore_mem>>) src(%dma_wait3A_21 : memref<640x128xf32, #tpu.memory_space<vmem_shared>>) dst(%dma_wait3A_19 : memref<640x128xf32, #tpu.memory_space<hbm>>)
      tpu.yield
    }) : () -> ()
    return
  }
}

#map = affine_map<(d0, d1) -> (0)>
#map1 = affine_map<(d0, d1) -> (0, 0, 0)>
module attributes {stable_mosaic.version = 14 : i64} {
  func.func @_deg_kernel(%arg0: i32, %arg1: i32, %arg2: memref<320000xi32, #tpu.memory_space<hbm>>, %arg3: memref<320000xi32, #tpu.memory_space<hbm>>, %arg4: memref<640xf32, #tpu.memory_space<hbm>>, %arg5: memref<128xf32, #tpu.memory_space<hbm>>, %arg6: memref<2x2x10240xf32, #tpu.memory_space<hbm>>, %arg7: memref<128xi32, #tpu.memory_space<vmem>>, %arg8: memref<128xi32, #tpu.memory_space<vmem>>, %arg9: memref<128xf32, #tpu.memory_space<vmem>>, %arg10: memref<10240xf32, #tpu.memory_space<vmem_shared>>, %arg11: memref<10240xf32, #tpu.memory_space<vmem_shared>>, %arg12: memref<!tpu.dma_semaphore, #tpu.memory_space<semaphore_mem>>) attributes {dimension_semantics = [#tpu.dimension_semantics<core_parallel>, #tpu.dimension_semantics<subcore_parallel>], iteration_bounds = array<i64: 2, 16>, scalar_prefetch = 0 : i64, scratch_operands = 6 : i64, tpu.core_type = #tpu.core_type<sc_vector_subcore>, window_params = [{transform_indices = #map}, {transform_indices = #map}, {transform_indices = #map}, {transform_indices = #map}, {transform_indices = #map1}]} {
    %mul3A = arith.constant 16 : i32
    %mul3A_0 = arith.muli %arg0, %mul3A : i32
    %add3A = arith.addi %mul3A_0, %arg1 : i32
    %mul3A_1 = arith.constant 640 : i32
    %mul3A_2 = arith.muli %arg1, %mul3A_1 : i32
    "tpu.region"() ({
      %run_scoped3A_21 = tpu.sem_alloc : memref<!tpu.dma_semaphore, #tpu.memory_space<semaphore_mem>>
      %dma_start3A = tpu.memref_slice %arg10[%mul3A_2] : memref<10240xf32, #tpu.memory_space<vmem_shared>> -> memref<640xf32, #tpu.memory_space<vmem_shared>>
      tpu.enqueue_dma source(%arg4 : memref<640xf32, #tpu.memory_space<hbm>>) target(%dma_start3A : memref<640xf32, #tpu.memory_space<vmem_shared>>) target_semaphore(%run_scoped3A_21 : memref<!tpu.dma_semaphore, #tpu.memory_space<semaphore_mem>>)
      %dma_wait3A = tpu.memref_slice %arg10[%mul3A_2] : memref<10240xf32, #tpu.memory_space<vmem_shared>> -> memref<640xf32, #tpu.memory_space<vmem_shared>>
      tpu.wait_dma2 semaphore(%run_scoped3A_21 : memref<!tpu.dma_semaphore, #tpu.memory_space<semaphore_mem>>) src(%arg4 : memref<640xf32, #tpu.memory_space<hbm>>) dst(%dma_wait3A : memref<640xf32, #tpu.memory_space<vmem_shared>>)
      tpu.yield
    }) : () -> ()
    %mul3A_3 = arith.constant 640 : i32
    %mul3A_4 = arith.muli %arg1, %mul3A_3 : i32
    "tpu.region"() ({
      %run_scoped3A_21 = tpu.sem_alloc : memref<!tpu.dma_semaphore, #tpu.memory_space<semaphore_mem>>
      %dma_start3A = tpu.memref_slice %arg11[%mul3A_4] : memref<10240xf32, #tpu.memory_space<vmem_shared>> -> memref<640xf32, #tpu.memory_space<vmem_shared>>
      tpu.enqueue_dma source(%arg4 : memref<640xf32, #tpu.memory_space<hbm>>) target(%dma_start3A : memref<640xf32, #tpu.memory_space<vmem_shared>>) target_semaphore(%run_scoped3A_21 : memref<!tpu.dma_semaphore, #tpu.memory_space<semaphore_mem>>)
      %dma_wait3A = tpu.memref_slice %arg11[%mul3A_4] : memref<10240xf32, #tpu.memory_space<vmem_shared>> -> memref<640xf32, #tpu.memory_space<vmem_shared>>
      tpu.wait_dma2 semaphore(%run_scoped3A_21 : memref<!tpu.dma_semaphore, #tpu.memory_space<semaphore_mem>>) src(%arg4 : memref<640xf32, #tpu.memory_space<hbm>>) dst(%dma_wait3A : memref<640xf32, #tpu.memory_space<vmem_shared>>)
      tpu.yield
    }) : () -> ()
    "tpu.region"() ({
      %run_scoped3A_21 = tpu.sem_alloc : memref<!tpu.dma_semaphore, #tpu.memory_space<semaphore_mem>>
      tpu.enqueue_dma source(%arg5 : memref<128xf32, #tpu.memory_space<hbm>>) target(%arg9 : memref<128xf32, #tpu.memory_space<vmem>>) target_semaphore(%run_scoped3A_21 : memref<!tpu.dma_semaphore, #tpu.memory_space<semaphore_mem>>)
      tpu.wait_dma2 semaphore(%run_scoped3A_21 : memref<!tpu.dma_semaphore, #tpu.memory_space<semaphore_mem>>) src(%arg5 : memref<128xf32, #tpu.memory_space<hbm>>) dst(%arg9 : memref<128xf32, #tpu.memory_space<vmem>>)
      tpu.yield
    }) : () -> ()
    %barrier3A = arith.constant 0 : index
    tpu.barrier barrier_id(%barrier3A)
    %scan3A = arith.constant 0 : i32
    %scan3A_5 = arith.constant 78 : i32
    %scan3A_6 = arith.addi %scan3A, %scan3A_5 : i32
    %scan3A_7 = arith.constant 1 : i32
    scf.for %scan3A_21 = %scan3A to %scan3A_6 step %scan3A_7  : i32 {
      %mul3A_22 = arith.constant 32 : i32
      %mul3A_23 = arith.muli %mul3A_22, %scan3A_21 : i32
      %add3A_24 = arith.addi %add3A, %mul3A_23 : i32
      %mul3A_25 = arith.constant 128 : i32
      %mul3A_26 = arith.muli %add3A_24, %mul3A_25 : i32
      "tpu.region"() ({
        %run_scoped3A_27 = tpu.sem_alloc : memref<!tpu.dma_semaphore, #tpu.memory_space<semaphore_mem>>
        %dma_start3A = tpu.memref_slice %arg2[%mul3A_26] : memref<320000xi32, #tpu.memory_space<hbm>> -> memref<128xi32, #tpu.memory_space<hbm>>
        %dma_start3A_28 = tpu.memref_slice %arg2[%mul3A_26] : memref<320000xi32, #tpu.memory_space<hbm>> -> memref<128xi32, #tpu.memory_space<hbm>>
        tpu.enqueue_dma source(%dma_start3A_28 : memref<128xi32, #tpu.memory_space<hbm>>) target(%arg7 : memref<128xi32, #tpu.memory_space<vmem>>) target_semaphore(%run_scoped3A_27 : memref<!tpu.dma_semaphore, #tpu.memory_space<semaphore_mem>>)
        %dma_wait3A = tpu.memref_slice %arg2[%mul3A_26] : memref<320000xi32, #tpu.memory_space<hbm>> -> memref<128xi32, #tpu.memory_space<hbm>>
        %dma_wait3A_29 = tpu.memref_slice %arg2[%mul3A_26] : memref<320000xi32, #tpu.memory_space<hbm>> -> memref<128xi32, #tpu.memory_space<hbm>>
        tpu.wait_dma2 semaphore(%run_scoped3A_27 : memref<!tpu.dma_semaphore, #tpu.memory_space<semaphore_mem>>) src(%dma_wait3A_29 : memref<128xi32, #tpu.memory_space<hbm>>) dst(%arg7 : memref<128xi32, #tpu.memory_space<vmem>>)
        tpu.yield
      }) : () -> ()
      "tpu.region"() ({
        %run_scoped3A_27 = tpu.sem_alloc : memref<!tpu.dma_semaphore, #tpu.memory_space<semaphore_mem>>
        %dma_start3A = tpu.memref_slice %arg3[%mul3A_26] : memref<320000xi32, #tpu.memory_space<hbm>> -> memref<128xi32, #tpu.memory_space<hbm>>
        %dma_start3A_28 = tpu.memref_slice %arg3[%mul3A_26] : memref<320000xi32, #tpu.memory_space<hbm>> -> memref<128xi32, #tpu.memory_space<hbm>>
        tpu.enqueue_dma source(%dma_start3A_28 : memref<128xi32, #tpu.memory_space<hbm>>) target(%arg8 : memref<128xi32, #tpu.memory_space<vmem>>) target_semaphore(%run_scoped3A_27 : memref<!tpu.dma_semaphore, #tpu.memory_space<semaphore_mem>>)
        %dma_wait3A = tpu.memref_slice %arg3[%mul3A_26] : memref<320000xi32, #tpu.memory_space<hbm>> -> memref<128xi32, #tpu.memory_space<hbm>>
        %dma_wait3A_29 = tpu.memref_slice %arg3[%mul3A_26] : memref<320000xi32, #tpu.memory_space<hbm>> -> memref<128xi32, #tpu.memory_space<hbm>>
        tpu.wait_dma2 semaphore(%run_scoped3A_27 : memref<!tpu.dma_semaphore, #tpu.memory_space<semaphore_mem>>) src(%dma_wait3A_29 : memref<128xi32, #tpu.memory_space<hbm>>) dst(%arg8 : memref<128xi32, #tpu.memory_space<vmem>>)
        tpu.yield
      }) : () -> ()
      "tpu.region"() ({
        %run_scoped3A_27 = tpu.sem_alloc : memref<!tpu.dma_semaphore, #tpu.memory_space<semaphore_mem>>
        %dma_start3A = arith.constant 0 : i32
        %dma_start3A_28 = tpu.memref_slice %arg10[%dma_start3A] : memref<10240xf32, #tpu.memory_space<vmem_shared>> -> memref<10240xf32, #tpu.memory_space<vmem_shared>>
        tpu.enqueue_indirect_dma source(%arg9 : memref<128xf32, #tpu.memory_space<vmem>>) target(%dma_start3A_28 : memref<10240xf32, #tpu.memory_space<vmem_shared>>) offsets(%arg7 : memref<128xi32, #tpu.memory_space<vmem>>) semaphore(%run_scoped3A_27 : memref<!tpu.dma_semaphore, #tpu.memory_space<semaphore_mem>>) {add = true}
        %dma_wait3A = arith.constant 0 : i32
        %dma_wait3A_29 = tpu.memref_slice %arg10[%dma_wait3A] : memref<10240xf32, #tpu.memory_space<vmem_shared>> -> memref<10240xf32, #tpu.memory_space<vmem_shared>>
        tpu.wait_indirect_dma semaphore(%run_scoped3A_27 : memref<!tpu.dma_semaphore, #tpu.memory_space<semaphore_mem>>) src(%arg9 : memref<128xf32, #tpu.memory_space<vmem>>) dst(%dma_wait3A_29 : memref<10240xf32, #tpu.memory_space<vmem_shared>>)
        tpu.yield
      }) : () -> ()
      "tpu.region"() ({
        %run_scoped3A_27 = tpu.sem_alloc : memref<!tpu.dma_semaphore, #tpu.memory_space<semaphore_mem>>
        %dma_start3A = arith.constant 0 : i32
        %dma_start3A_28 = tpu.memref_slice %arg11[%dma_start3A] : memref<10240xf32, #tpu.memory_space<vmem_shared>> -> memref<10240xf32, #tpu.memory_space<vmem_shared>>
        tpu.enqueue_indirect_dma source(%arg9 : memref<128xf32, #tpu.memory_space<vmem>>) target(%dma_start3A_28 : memref<10240xf32, #tpu.memory_space<vmem_shared>>) offsets(%arg8 : memref<128xi32, #tpu.memory_space<vmem>>) semaphore(%run_scoped3A_27 : memref<!tpu.dma_semaphore, #tpu.memory_space<semaphore_mem>>) {add = true}
        %dma_wait3A = arith.constant 0 : i32
        %dma_wait3A_29 = tpu.memref_slice %arg11[%dma_wait3A] : memref<10240xf32, #tpu.memory_space<vmem_shared>> -> memref<10240xf32, #tpu.memory_space<vmem_shared>>
        tpu.wait_indirect_dma semaphore(%run_scoped3A_27 : memref<!tpu.dma_semaphore, #tpu.memory_space<semaphore_mem>>) src(%arg9 : memref<128xf32, #tpu.memory_space<vmem>>) dst(%dma_wait3A_29 : memref<10240xf32, #tpu.memory_space<vmem_shared>>)
        tpu.yield
      }) : () -> ()
    }
    %scan3A_8 = arith.constant 78 : i32
    %lt3A = arith.constant 4 : i32
    %lt3A_9 = arith.cmpi slt, %add3A, %lt3A : i32
    %convert_element_type3A = arith.extui %lt3A_9 : i1 to i32
    %cond3A = arith.constant 0 : i32
    %cond3A_10 = arith.cmpi ne, %convert_element_type3A, %cond3A : i32
    scf.if %cond3A_10 {
      %add3A_21 = arith.constant 2496 : i32
      %add3A_22 = arith.addi %add3A_21, %add3A : i32
      %mul3A_23 = arith.constant 128 : i32
      %mul3A_24 = arith.muli %add3A_22, %mul3A_23 : i32
      "tpu.region"() ({
        %run_scoped3A_25 = tpu.sem_alloc : memref<!tpu.dma_semaphore, #tpu.memory_space<semaphore_mem>>
        %dma_start3A = tpu.memref_slice %arg2[%mul3A_24] : memref<320000xi32, #tpu.memory_space<hbm>> -> memref<128xi32, #tpu.memory_space<hbm>>
        %dma_start3A_26 = tpu.memref_slice %arg2[%mul3A_24] : memref<320000xi32, #tpu.memory_space<hbm>> -> memref<128xi32, #tpu.memory_space<hbm>>
        tpu.enqueue_dma source(%dma_start3A_26 : memref<128xi32, #tpu.memory_space<hbm>>) target(%arg7 : memref<128xi32, #tpu.memory_space<vmem>>) target_semaphore(%run_scoped3A_25 : memref<!tpu.dma_semaphore, #tpu.memory_space<semaphore_mem>>)
        %dma_wait3A = tpu.memref_slice %arg2[%mul3A_24] : memref<320000xi32, #tpu.memory_space<hbm>> -> memref<128xi32, #tpu.memory_space<hbm>>
        %dma_wait3A_27 = tpu.memref_slice %arg2[%mul3A_24] : memref<320000xi32, #tpu.memory_space<hbm>> -> memref<128xi32, #tpu.memory_space<hbm>>
        tpu.wait_dma2 semaphore(%run_scoped3A_25 : memref<!tpu.dma_semaphore, #tpu.memory_space<semaphore_mem>>) src(%dma_wait3A_27 : memref<128xi32, #tpu.memory_space<hbm>>) dst(%arg7 : memref<128xi32, #tpu.memory_space<vmem>>)
        tpu.yield
      }) : () -> ()
      "tpu.region"() ({
        %run_scoped3A_25 = tpu.sem_alloc : memref<!tpu.dma_semaphore, #tpu.memory_space<semaphore_mem>>
        %dma_start3A = tpu.memref_slice %arg3[%mul3A_24] : memref<320000xi32, #tpu.memory_space<hbm>> -> memref<128xi32, #tpu.memory_space<hbm>>
        %dma_start3A_26 = tpu.memref_slice %arg3[%mul3A_24] : memref<320000xi32, #tpu.memory_space<hbm>> -> memref<128xi32, #tpu.memory_space<hbm>>
        tpu.enqueue_dma source(%dma_start3A_26 : memref<128xi32, #tpu.memory_space<hbm>>) target(%arg8 : memref<128xi32, #tpu.memory_space<vmem>>) target_semaphore(%run_scoped3A_25 : memref<!tpu.dma_semaphore, #tpu.memory_space<semaphore_mem>>)
        %dma_wait3A = tpu.memref_slice %arg3[%mul3A_24] : memref<320000xi32, #tpu.memory_space<hbm>> -> memref<128xi32, #tpu.memory_space<hbm>>
        %dma_wait3A_27 = tpu.memref_slice %arg3[%mul3A_24] : memref<320000xi32, #tpu.memory_space<hbm>> -> memref<128xi32, #tpu.memory_space<hbm>>
        tpu.wait_dma2 semaphore(%run_scoped3A_25 : memref<!tpu.dma_semaphore, #tpu.memory_space<semaphore_mem>>) src(%dma_wait3A_27 : memref<128xi32, #tpu.memory_space<hbm>>) dst(%arg8 : memref<128xi32, #tpu.memory_space<vmem>>)
        tpu.yield
      }) : () -> ()
      "tpu.region"() ({
        %run_scoped3A_25 = tpu.sem_alloc : memref<!tpu.dma_semaphore, #tpu.memory_space<semaphore_mem>>
        %dma_start3A = arith.constant 0 : i32
        %dma_start3A_26 = tpu.memref_slice %arg10[%dma_start3A] : memref<10240xf32, #tpu.memory_space<vmem_shared>> -> memref<10240xf32, #tpu.memory_space<vmem_shared>>
        tpu.enqueue_indirect_dma source(%arg9 : memref<128xf32, #tpu.memory_space<vmem>>) target(%dma_start3A_26 : memref<10240xf32, #tpu.memory_space<vmem_shared>>) offsets(%arg7 : memref<128xi32, #tpu.memory_space<vmem>>) semaphore(%run_scoped3A_25 : memref<!tpu.dma_semaphore, #tpu.memory_space<semaphore_mem>>) {add = true}
        %dma_wait3A = arith.constant 0 : i32
        %dma_wait3A_27 = tpu.memref_slice %arg10[%dma_wait3A] : memref<10240xf32, #tpu.memory_space<vmem_shared>> -> memref<10240xf32, #tpu.memory_space<vmem_shared>>
        tpu.wait_indirect_dma semaphore(%run_scoped3A_25 : memref<!tpu.dma_semaphore, #tpu.memory_space<semaphore_mem>>) src(%arg9 : memref<128xf32, #tpu.memory_space<vmem>>) dst(%dma_wait3A_27 : memref<10240xf32, #tpu.memory_space<vmem_shared>>)
        tpu.yield
      }) : () -> ()
      "tpu.region"() ({
        %run_scoped3A_25 = tpu.sem_alloc : memref<!tpu.dma_semaphore, #tpu.memory_space<semaphore_mem>>
        %dma_start3A = arith.constant 0 : i32
        %dma_start3A_26 = tpu.memref_slice %arg11[%dma_start3A] : memref<10240xf32, #tpu.memory_space<vmem_shared>> -> memref<10240xf32, #tpu.memory_space<vmem_shared>>
        tpu.enqueue_indirect_dma source(%arg9 : memref<128xf32, #tpu.memory_space<vmem>>) target(%dma_start3A_26 : memref<10240xf32, #tpu.memory_space<vmem_shared>>) offsets(%arg8 : memref<128xi32, #tpu.memory_space<vmem>>) semaphore(%run_scoped3A_25 : memref<!tpu.dma_semaphore, #tpu.memory_space<semaphore_mem>>) {add = true}
        %dma_wait3A = arith.constant 0 : i32
        %dma_wait3A_27 = tpu.memref_slice %arg11[%dma_wait3A] : memref<10240xf32, #tpu.memory_space<vmem_shared>> -> memref<10240xf32, #tpu.memory_space<vmem_shared>>
        tpu.wait_indirect_dma semaphore(%run_scoped3A_25 : memref<!tpu.dma_semaphore, #tpu.memory_space<semaphore_mem>>) src(%arg9 : memref<128xf32, #tpu.memory_space<vmem>>) dst(%dma_wait3A_27 : memref<10240xf32, #tpu.memory_space<vmem_shared>>)
        tpu.yield
      }) : () -> ()
    } else {
    }
    %barrier3A_11 = arith.constant 0 : index
    tpu.barrier barrier_id(%barrier3A_11)
    %mul3A_12 = arith.constant 640 : i32
    %mul3A_13 = arith.muli %arg1, %mul3A_12 : i32
    %mul3A_14 = arith.constant 640 : i32
    %mul3A_15 = arith.muli %arg1, %mul3A_14 : i32
    %run_scoped3A = arith.constant 0 : i32
    "tpu.region"() ({
      %run_scoped3A_21 = tpu.sem_alloc : memref<!tpu.dma_semaphore, #tpu.memory_space<semaphore_mem>>
      %dma_start3A = tpu.memref_slice %arg6[%arg0, %run_scoped3A, %mul3A_15] : memref<2x2x10240xf32, #tpu.memory_space<hbm>> -> memref<1x1x640xf32, #tpu.memory_space<hbm>>
      %dma_start3A_22 = tpu.memref_squeeze %dma_start3A : memref<1x1x640xf32, #tpu.memory_space<hbm>> -> memref<640xf32, #tpu.memory_space<hbm>>
      %dma_start3A_23 = tpu.memref_slice %arg10[%mul3A_13] : memref<10240xf32, #tpu.memory_space<vmem_shared>> -> memref<640xf32, #tpu.memory_space<vmem_shared>>
      tpu.enqueue_dma source(%dma_start3A_23 : memref<640xf32, #tpu.memory_space<vmem_shared>>) target(%dma_start3A_22 : memref<640xf32, #tpu.memory_space<hbm>>) target_semaphore(%run_scoped3A_21 : memref<!tpu.dma_semaphore, #tpu.memory_space<semaphore_mem>>)
      %dma_wait3A = tpu.memref_slice %arg6[%arg0, %run_scoped3A, %mul3A_15] : memref<2x2x10240xf32, #tpu.memory_space<hbm>> -> memref<1x1x640xf32, #tpu.memory_space<hbm>>
      %dma_wait3A_24 = tpu.memref_squeeze %dma_wait3A : memref<1x1x640xf32, #tpu.memory_space<hbm>> -> memref<640xf32, #tpu.memory_space<hbm>>
      %dma_wait3A_25 = tpu.memref_slice %arg10[%mul3A_13] : memref<10240xf32, #tpu.memory_space<vmem_shared>> -> memref<640xf32, #tpu.memory_space<vmem_shared>>
      tpu.wait_dma2 semaphore(%run_scoped3A_21 : memref<!tpu.dma_semaphore, #tpu.memory_space<semaphore_mem>>) src(%dma_wait3A_25 : memref<640xf32, #tpu.memory_space<vmem_shared>>) dst(%dma_wait3A_24 : memref<640xf32, #tpu.memory_space<hbm>>)
      tpu.yield
    }) : () -> ()
    %mul3A_16 = arith.constant 640 : i32
    %mul3A_17 = arith.muli %arg1, %mul3A_16 : i32
    %mul3A_18 = arith.constant 640 : i32
    %mul3A_19 = arith.muli %arg1, %mul3A_18 : i32
    %run_scoped3A_20 = arith.constant 1 : i32
    "tpu.region"() ({
      %run_scoped3A_21 = tpu.sem_alloc : memref<!tpu.dma_semaphore, #tpu.memory_space<semaphore_mem>>
      %dma_start3A = tpu.memref_slice %arg6[%arg0, %run_scoped3A_20, %mul3A_19] : memref<2x2x10240xf32, #tpu.memory_space<hbm>> -> memref<1x1x640xf32, #tpu.memory_space<hbm>>
      %dma_start3A_22 = tpu.memref_squeeze %dma_start3A : memref<1x1x640xf32, #tpu.memory_space<hbm>> -> memref<640xf32, #tpu.memory_space<hbm>>
      %dma_start3A_23 = tpu.memref_slice %arg11[%mul3A_17] : memref<10240xf32, #tpu.memory_space<vmem_shared>> -> memref<640xf32, #tpu.memory_space<vmem_shared>>
      tpu.enqueue_dma source(%dma_start3A_23 : memref<640xf32, #tpu.memory_space<vmem_shared>>) target(%dma_start3A_22 : memref<640xf32, #tpu.memory_space<hbm>>) target_semaphore(%run_scoped3A_21 : memref<!tpu.dma_semaphore, #tpu.memory_space<semaphore_mem>>)
      %dma_wait3A = tpu.memref_slice %arg6[%arg0, %run_scoped3A_20, %mul3A_19] : memref<2x2x10240xf32, #tpu.memory_space<hbm>> -> memref<1x1x640xf32, #tpu.memory_space<hbm>>
      %dma_wait3A_24 = tpu.memref_squeeze %dma_wait3A : memref<1x1x640xf32, #tpu.memory_space<hbm>> -> memref<640xf32, #tpu.memory_space<hbm>>
      %dma_wait3A_25 = tpu.memref_slice %arg11[%mul3A_17] : memref<10240xf32, #tpu.memory_space<vmem_shared>> -> memref<640xf32, #tpu.memory_space<vmem_shared>>
      tpu.wait_dma2 semaphore(%run_scoped3A_21 : memref<!tpu.dma_semaphore, #tpu.memory_space<semaphore_mem>>) src(%dma_wait3A_25 : memref<640xf32, #tpu.memory_space<vmem_shared>>) dst(%dma_wait3A_24 : memref<640xf32, #tpu.memory_space<hbm>>)
      tpu.yield
    }) : () -> ()
    return
  }
}

#map = affine_map<(d0, d1) -> (0, 0)>
#map1 = affine_map<(d0, d1) -> (0)>
#map2 = affine_map<(d0, d1) -> (0, 0, 0)>
module attributes {stable_mosaic.version = 14 : i64} {
  func.func @_agg_kernel(%arg0: i32, %arg1: i32, %arg2: memref<10240x128xf32, #tpu.memory_space<hbm>>, %arg3: memref<320000xi32, #tpu.memory_space<hbm>>, %arg4: memref<320000xi32, #tpu.memory_space<hbm>>, %arg5: memref<640x128xf32, #tpu.memory_space<hbm>>, %arg6: memref<2x10240x128xf32, #tpu.memory_space<hbm>>, %arg7: memref<128xi32, #tpu.memory_space<vmem>>, %arg8: memref<128xi32, #tpu.memory_space<vmem>>, %arg9: memref<128x128xf32, #tpu.memory_space<vmem>>, %arg10: memref<10240x128xf32, #tpu.memory_space<vmem_shared>>, %arg11: memref<!tpu.dma_semaphore, #tpu.memory_space<semaphore_mem>>) attributes {dimension_semantics = [#tpu.dimension_semantics<core_parallel>, #tpu.dimension_semantics<subcore_parallel>], iteration_bounds = array<i64: 2, 16>, scalar_prefetch = 0 : i64, scratch_operands = 5 : i64, tpu.core_type = #tpu.core_type<sc_vector_subcore>, window_params = [{transform_indices = #map}, {transform_indices = #map1}, {transform_indices = #map1}, {transform_indices = #map}, {transform_indices = #map2}]} {
    %mul3A = arith.constant 16 : i32
    %mul3A_0 = arith.muli %arg0, %mul3A : i32
    %add3A = arith.addi %mul3A_0, %arg1 : i32
    %mul3A_1 = arith.constant 640 : i32
    %mul3A_2 = arith.muli %arg1, %mul3A_1 : i32
    "tpu.region"() ({
      %run_scoped3A = tpu.sem_alloc : memref<!tpu.dma_semaphore, #tpu.memory_space<semaphore_mem>>
      %dma_start3A = arith.constant 0 : i32
      %dma_start3A_14 = tpu.memref_slice %arg10[%mul3A_2, %dma_start3A] : memref<10240x128xf32, #tpu.memory_space<vmem_shared>> -> memref<640x128xf32, #tpu.memory_space<vmem_shared>>
      tpu.enqueue_dma source(%arg5 : memref<640x128xf32, #tpu.memory_space<hbm>>) target(%dma_start3A_14 : memref<640x128xf32, #tpu.memory_space<vmem_shared>>) target_semaphore(%run_scoped3A : memref<!tpu.dma_semaphore, #tpu.memory_space<semaphore_mem>>)
      %dma_wait3A = arith.constant 0 : i32
      %dma_wait3A_15 = tpu.memref_slice %arg10[%mul3A_2, %dma_wait3A] : memref<10240x128xf32, #tpu.memory_space<vmem_shared>> -> memref<640x128xf32, #tpu.memory_space<vmem_shared>>
      tpu.wait_dma2 semaphore(%run_scoped3A : memref<!tpu.dma_semaphore, #tpu.memory_space<semaphore_mem>>) src(%arg5 : memref<640x128xf32, #tpu.memory_space<hbm>>) dst(%dma_wait3A_15 : memref<640x128xf32, #tpu.memory_space<vmem_shared>>)
      tpu.yield
    }) : () -> ()
    %barrier3A = arith.constant 0 : index
    tpu.barrier barrier_id(%barrier3A)
    %scan3A = arith.constant 0 : i32
    %scan3A_3 = arith.constant 78 : i32
    %scan3A_4 = arith.addi %scan3A, %scan3A_3 : i32
    %scan3A_5 = arith.constant 1 : i32
    scf.for %scan3A_14 = %scan3A to %scan3A_4 step %scan3A_5  : i32 {
      %mul3A_15 = arith.constant 32 : i32
      %mul3A_16 = arith.muli %mul3A_15, %scan3A_14 : i32
      %add3A_17 = arith.addi %add3A, %mul3A_16 : i32
      %mul3A_18 = arith.constant 128 : i32
      %mul3A_19 = arith.muli %add3A_17, %mul3A_18 : i32
      "tpu.region"() ({
        %run_scoped3A = tpu.sem_alloc : memref<!tpu.dma_semaphore, #tpu.memory_space<semaphore_mem>>
        %dma_start3A_24 = tpu.memref_slice %arg3[%mul3A_19] : memref<320000xi32, #tpu.memory_space<hbm>> -> memref<128xi32, #tpu.memory_space<hbm>>
        %dma_start3A_25 = tpu.memref_slice %arg3[%mul3A_19] : memref<320000xi32, #tpu.memory_space<hbm>> -> memref<128xi32, #tpu.memory_space<hbm>>
        tpu.enqueue_dma source(%dma_start3A_25 : memref<128xi32, #tpu.memory_space<hbm>>) target(%arg7 : memref<128xi32, #tpu.memory_space<vmem>>) target_semaphore(%run_scoped3A : memref<!tpu.dma_semaphore, #tpu.memory_space<semaphore_mem>>)
        %dma_wait3A_26 = tpu.memref_slice %arg3[%mul3A_19] : memref<320000xi32, #tpu.memory_space<hbm>> -> memref<128xi32, #tpu.memory_space<hbm>>
        %dma_wait3A_27 = tpu.memref_slice %arg3[%mul3A_19] : memref<320000xi32, #tpu.memory_space<hbm>> -> memref<128xi32, #tpu.memory_space<hbm>>
        tpu.wait_dma2 semaphore(%run_scoped3A : memref<!tpu.dma_semaphore, #tpu.memory_space<semaphore_mem>>) src(%dma_wait3A_27 : memref<128xi32, #tpu.memory_space<hbm>>) dst(%arg7 : memref<128xi32, #tpu.memory_space<vmem>>)
        tpu.yield
      }) : () -> ()
      "tpu.region"() ({
        %run_scoped3A = tpu.sem_alloc : memref<!tpu.dma_semaphore, #tpu.memory_space<semaphore_mem>>
        %dma_start3A_24 = tpu.memref_slice %arg4[%mul3A_19] : memref<320000xi32, #tpu.memory_space<hbm>> -> memref<128xi32, #tpu.memory_space<hbm>>
        %dma_start3A_25 = tpu.memref_slice %arg4[%mul3A_19] : memref<320000xi32, #tpu.memory_space<hbm>> -> memref<128xi32, #tpu.memory_space<hbm>>
        tpu.enqueue_dma source(%dma_start3A_25 : memref<128xi32, #tpu.memory_space<hbm>>) target(%arg8 : memref<128xi32, #tpu.memory_space<vmem>>) target_semaphore(%run_scoped3A : memref<!tpu.dma_semaphore, #tpu.memory_space<semaphore_mem>>)
        %dma_wait3A_26 = tpu.memref_slice %arg4[%mul3A_19] : memref<320000xi32, #tpu.memory_space<hbm>> -> memref<128xi32, #tpu.memory_space<hbm>>
        %dma_wait3A_27 = tpu.memref_slice %arg4[%mul3A_19] : memref<320000xi32, #tpu.memory_space<hbm>> -> memref<128xi32, #tpu.memory_space<hbm>>
        tpu.wait_dma2 semaphore(%run_scoped3A : memref<!tpu.dma_semaphore, #tpu.memory_space<semaphore_mem>>) src(%dma_wait3A_27 : memref<128xi32, #tpu.memory_space<hbm>>) dst(%arg8 : memref<128xi32, #tpu.memory_space<vmem>>)
        tpu.yield
      }) : () -> ()
      %dma_start3A = arith.constant 0 : i32
      %dma_start3A_20 = arith.constant 0 : i32
      %dma_start3A_21 = tpu.memref_slice %arg2[%dma_start3A, %dma_start3A_20] : memref<10240x128xf32, #tpu.memory_space<hbm>> -> memref<10240x128xf32, #tpu.memory_space<hbm>>
      tpu.enqueue_indirect_dma source(%dma_start3A_21 : memref<10240x128xf32, #tpu.memory_space<hbm>>) target(%arg9 : memref<128x128xf32, #tpu.memory_space<vmem>>) offsets(%arg7 : memref<128xi32, #tpu.memory_space<vmem>>) semaphore(%arg11 : memref<!tpu.dma_semaphore, #tpu.memory_space<semaphore_mem>>)
      %dma_wait3A = arith.constant 0 : i32
      %dma_wait3A_22 = arith.constant 0 : i32
      %dma_wait3A_23 = tpu.memref_slice %arg2[%dma_wait3A, %dma_wait3A_22] : memref<10240x128xf32, #tpu.memory_space<hbm>> -> memref<10240x128xf32, #tpu.memory_space<hbm>>
      tpu.wait_indirect_dma semaphore(%arg11 : memref<!tpu.dma_semaphore, #tpu.memory_space<semaphore_mem>>) src(%dma_wait3A_23 : memref<10240x128xf32, #tpu.memory_space<hbm>>) dst(%arg9 : memref<128x128xf32, #tpu.memory_space<vmem>>)
      "tpu.region"() ({
        %run_scoped3A = tpu.sem_alloc : memref<!tpu.dma_semaphore, #tpu.memory_space<semaphore_mem>>
        %dma_start3A_24 = arith.constant 0 : i32
        %dma_start3A_25 = arith.constant 0 : i32
        %dma_start3A_26 = tpu.memref_slice %arg10[%dma_start3A_24, %dma_start3A_25] : memref<10240x128xf32, #tpu.memory_space<vmem_shared>> -> memref<10240x128xf32, #tpu.memory_space<vmem_shared>>
        tpu.enqueue_indirect_dma source(%arg9 : memref<128x128xf32, #tpu.memory_space<vmem>>) target(%dma_start3A_26 : memref<10240x128xf32, #tpu.memory_space<vmem_shared>>) offsets(%arg8 : memref<128xi32, #tpu.memory_space<vmem>>) semaphore(%run_scoped3A : memref<!tpu.dma_semaphore, #tpu.memory_space<semaphore_mem>>) {add = true}
        %dma_wait3A_27 = arith.constant 0 : i32
        %dma_wait3A_28 = arith.constant 0 : i32
        %dma_wait3A_29 = tpu.memref_slice %arg10[%dma_wait3A_27, %dma_wait3A_28] : memref<10240x128xf32, #tpu.memory_space<vmem_shared>> -> memref<10240x128xf32, #tpu.memory_space<vmem_shared>>
        tpu.wait_indirect_dma semaphore(%run_scoped3A : memref<!tpu.dma_semaphore, #tpu.memory_space<semaphore_mem>>) src(%arg9 : memref<128x128xf32, #tpu.memory_space<vmem>>) dst(%dma_wait3A_29 : memref<10240x128xf32, #tpu.memory_space<vmem_shared>>)
        tpu.yield
      }) : () -> ()
    }
    %scan3A_6 = arith.constant 78 : i32
    %lt3A = arith.constant 4 : i32
    %lt3A_7 = arith.cmpi slt, %add3A, %lt3A : i32
    %convert_element_type3A = arith.extui %lt3A_7 : i1 to i32
    %cond3A = arith.constant 0 : i32
    %cond3A_8 = arith.cmpi ne, %convert_element_type3A, %cond3A : i32
    scf.if %cond3A_8 {
      %add3A_14 = arith.constant 2496 : i32
      %add3A_15 = arith.addi %add3A_14, %add3A : i32
      %mul3A_16 = arith.constant 128 : i32
      %mul3A_17 = arith.muli %add3A_15, %mul3A_16 : i32
      "tpu.region"() ({
        %run_scoped3A = tpu.sem_alloc : memref<!tpu.dma_semaphore, #tpu.memory_space<semaphore_mem>>
        %dma_start3A_22 = tpu.memref_slice %arg3[%mul3A_17] : memref<320000xi32, #tpu.memory_space<hbm>> -> memref<128xi32, #tpu.memory_space<hbm>>
        %dma_start3A_23 = tpu.memref_slice %arg3[%mul3A_17] : memref<320000xi32, #tpu.memory_space<hbm>> -> memref<128xi32, #tpu.memory_space<hbm>>
        tpu.enqueue_dma source(%dma_start3A_23 : memref<128xi32, #tpu.memory_space<hbm>>) target(%arg7 : memref<128xi32, #tpu.memory_space<vmem>>) target_semaphore(%run_scoped3A : memref<!tpu.dma_semaphore, #tpu.memory_space<semaphore_mem>>)
        %dma_wait3A_24 = tpu.memref_slice %arg3[%mul3A_17] : memref<320000xi32, #tpu.memory_space<hbm>> -> memref<128xi32, #tpu.memory_space<hbm>>
        %dma_wait3A_25 = tpu.memref_slice %arg3[%mul3A_17] : memref<320000xi32, #tpu.memory_space<hbm>> -> memref<128xi32, #tpu.memory_space<hbm>>
        tpu.wait_dma2 semaphore(%run_scoped3A : memref<!tpu.dma_semaphore, #tpu.memory_space<semaphore_mem>>) src(%dma_wait3A_25 : memref<128xi32, #tpu.memory_space<hbm>>) dst(%arg7 : memref<128xi32, #tpu.memory_space<vmem>>)
        tpu.yield
      }) : () -> ()
      "tpu.region"() ({
        %run_scoped3A = tpu.sem_alloc : memref<!tpu.dma_semaphore, #tpu.memory_space<semaphore_mem>>
        %dma_start3A_22 = tpu.memref_slice %arg4[%mul3A_17] : memref<320000xi32, #tpu.memory_space<hbm>> -> memref<128xi32, #tpu.memory_space<hbm>>
        %dma_start3A_23 = tpu.memref_slice %arg4[%mul3A_17] : memref<320000xi32, #tpu.memory_space<hbm>> -> memref<128xi32, #tpu.memory_space<hbm>>
        tpu.enqueue_dma source(%dma_start3A_23 : memref<128xi32, #tpu.memory_space<hbm>>) target(%arg8 : memref<128xi32, #tpu.memory_space<vmem>>) target_semaphore(%run_scoped3A : memref<!tpu.dma_semaphore, #tpu.memory_space<semaphore_mem>>)
        %dma_wait3A_24 = tpu.memref_slice %arg4[%mul3A_17] : memref<320000xi32, #tpu.memory_space<hbm>> -> memref<128xi32, #tpu.memory_space<hbm>>
        %dma_wait3A_25 = tpu.memref_slice %arg4[%mul3A_17] : memref<320000xi32, #tpu.memory_space<hbm>> -> memref<128xi32, #tpu.memory_space<hbm>>
        tpu.wait_dma2 semaphore(%run_scoped3A : memref<!tpu.dma_semaphore, #tpu.memory_space<semaphore_mem>>) src(%dma_wait3A_25 : memref<128xi32, #tpu.memory_space<hbm>>) dst(%arg8 : memref<128xi32, #tpu.memory_space<vmem>>)
        tpu.yield
      }) : () -> ()
      %dma_start3A = arith.constant 0 : i32
      %dma_start3A_18 = arith.constant 0 : i32
      %dma_start3A_19 = tpu.memref_slice %arg2[%dma_start3A, %dma_start3A_18] : memref<10240x128xf32, #tpu.memory_space<hbm>> -> memref<10240x128xf32, #tpu.memory_space<hbm>>
      tpu.enqueue_indirect_dma source(%dma_start3A_19 : memref<10240x128xf32, #tpu.memory_space<hbm>>) target(%arg9 : memref<128x128xf32, #tpu.memory_space<vmem>>) offsets(%arg7 : memref<128xi32, #tpu.memory_space<vmem>>) semaphore(%arg11 : memref<!tpu.dma_semaphore, #tpu.memory_space<semaphore_mem>>)
      %dma_wait3A = arith.constant 0 : i32
      %dma_wait3A_20 = arith.constant 0 : i32
      %dma_wait3A_21 = tpu.memref_slice %arg2[%dma_wait3A, %dma_wait3A_20] : memref<10240x128xf32, #tpu.memory_space<hbm>> -> memref<10240x128xf32, #tpu.memory_space<hbm>>
      tpu.wait_indirect_dma semaphore(%arg11 : memref<!tpu.dma_semaphore, #tpu.memory_space<semaphore_mem>>) src(%dma_wait3A_21 : memref<10240x128xf32, #tpu.memory_space<hbm>>) dst(%arg9 : memref<128x128xf32, #tpu.memory_space<vmem>>)
      "tpu.region"() ({
        %run_scoped3A = tpu.sem_alloc : memref<!tpu.dma_semaphore, #tpu.memory_space<semaphore_mem>>
        %dma_start3A_22 = arith.constant 0 : i32
        %dma_start3A_23 = arith.constant 0 : i32
        %dma_start3A_24 = tpu.memref_slice %arg10[%dma_start3A_22, %dma_start3A_23] : memref<10240x128xf32, #tpu.memory_space<vmem_shared>> -> memref<10240x128xf32, #tpu.memory_space<vmem_shared>>
        tpu.enqueue_indirect_dma source(%arg9 : memref<128x128xf32, #tpu.memory_space<vmem>>) target(%dma_start3A_24 : memref<10240x128xf32, #tpu.memory_space<vmem_shared>>) offsets(%arg8 : memref<128xi32, #tpu.memory_space<vmem>>) semaphore(%run_scoped3A : memref<!tpu.dma_semaphore, #tpu.memory_space<semaphore_mem>>) {add = true}
        %dma_wait3A_25 = arith.constant 0 : i32
        %dma_wait3A_26 = arith.constant 0 : i32
        %dma_wait3A_27 = tpu.memref_slice %arg10[%dma_wait3A_25, %dma_wait3A_26] : memref<10240x128xf32, #tpu.memory_space<vmem_shared>> -> memref<10240x128xf32, #tpu.memory_space<vmem_shared>>
        tpu.wait_indirect_dma semaphore(%run_scoped3A : memref<!tpu.dma_semaphore, #tpu.memory_space<semaphore_mem>>) src(%arg9 : memref<128x128xf32, #tpu.memory_space<vmem>>) dst(%dma_wait3A_27 : memref<10240x128xf32, #tpu.memory_space<vmem_shared>>)
        tpu.yield
      }) : () -> ()
    } else {
    }
    %barrier3A_9 = arith.constant 0 : index
    tpu.barrier barrier_id(%barrier3A_9)
    %mul3A_10 = arith.constant 640 : i32
    %mul3A_11 = arith.muli %arg1, %mul3A_10 : i32
    %mul3A_12 = arith.constant 640 : i32
    %mul3A_13 = arith.muli %arg1, %mul3A_12 : i32
    "tpu.region"() ({
      %run_scoped3A = tpu.sem_alloc : memref<!tpu.dma_semaphore, #tpu.memory_space<semaphore_mem>>
      %dma_start3A = arith.constant 0 : i32
      %dma_start3A_14 = tpu.memref_slice %arg6[%arg0, %mul3A_13, %dma_start3A] : memref<2x10240x128xf32, #tpu.memory_space<hbm>> -> memref<1x640x128xf32, #tpu.memory_space<hbm>>
      %dma_start3A_15 = tpu.memref_squeeze %dma_start3A_14 : memref<1x640x128xf32, #tpu.memory_space<hbm>> -> memref<640x128xf32, #tpu.memory_space<hbm>>
      %dma_start3A_16 = arith.constant 0 : i32
      %dma_start3A_17 = tpu.memref_slice %arg10[%mul3A_11, %dma_start3A_16] : memref<10240x128xf32, #tpu.memory_space<vmem_shared>> -> memref<640x128xf32, #tpu.memory_space<vmem_shared>>
      tpu.enqueue_dma source(%dma_start3A_17 : memref<640x128xf32, #tpu.memory_space<vmem_shared>>) target(%dma_start3A_15 : memref<640x128xf32, #tpu.memory_space<hbm>>) target_semaphore(%run_scoped3A : memref<!tpu.dma_semaphore, #tpu.memory_space<semaphore_mem>>)
      %dma_wait3A = arith.constant 0 : i32
      %dma_wait3A_18 = tpu.memref_slice %arg6[%arg0, %mul3A_13, %dma_wait3A] : memref<2x10240x128xf32, #tpu.memory_space<hbm>> -> memref<1x640x128xf32, #tpu.memory_space<hbm>>
      %dma_wait3A_19 = tpu.memref_squeeze %dma_wait3A_18 : memref<1x640x128xf32, #tpu.memory_space<hbm>> -> memref<640x128xf32, #tpu.memory_space<hbm>>
      %dma_wait3A_20 = arith.constant 0 : i32
      %dma_wait3A_21 = tpu.memref_slice %arg10[%mul3A_11, %dma_wait3A_20] : memref<10240x128xf32, #tpu.memory_space<vmem_shared>> -> memref<640x128xf32, #tpu.memory_space<vmem_shared>>
      tpu.wait_dma2 semaphore(%run_scoped3A : memref<!tpu.dma_semaphore, #tpu.memory_space<semaphore_mem>>) src(%dma_wait3A_21 : memref<640x128xf32, #tpu.memory_space<vmem_shared>>) dst(%dma_wait3A_19 : memref<640x128xf32, #tpu.memory_space<hbm>>)
      tpu.yield
    }) : () -> ()
    return
  }
}

module attributes {stable_mosaic.version = 14 : i64} {
  func.func @_tc1_body(%arg0: i32, %arg1: memref<1024x1xf32, #tpu.memory_space<vmem>>, %arg2: memref<1024x1xf32, #tpu.memory_space<vmem>>, %arg3: memref<1024x1xf32, #tpu.memory_space<vmem>>, %arg4: memref<1024x1xf32, #tpu.memory_space<vmem>>, %arg5: memref<1024x128xf32, #tpu.memory_space<vmem>>, %arg6: memref<128x128xf32, #tpu.memory_space<vmem>>, %arg7: memref<1024x128xf32, #tpu.memory_space<vmem>>, %arg8: memref<1024x1xf32, #tpu.memory_space<vmem>>, %arg9: memref<1024x1xf32, #tpu.memory_space<vmem>>) attributes {dimension_semantics = [#tpu.dimension_semantics<arbitrary>], iteration_bounds = array<i64: 10>, scalar_prefetch = 0 : i64, scratch_operands = 0 : i64, tpu.core_type = #tpu.core_type<tc>, window_params = [{transform_indices = @transform_0, window_bounds = array<i64: 1024, 1>}, {transform_indices = @transform_1, window_bounds = array<i64: 1024, 1>}, {transform_indices = @transform_2, window_bounds = array<i64: 1024, 1>}, {transform_indices = @transform_3, window_bounds = array<i64: 1024, 1>}, {transform_indices = @transform_4, window_bounds = array<i64: 1024, 128>}, {pipeline_mode = #tpu.pipeline_mode<synchronous>, transform_indices = @transform_5, window_bounds = array<i64: 128, 128>}, {transform_indices = @transform_6, window_bounds = array<i64: 1024, 128>}, {transform_indices = @transform_7, window_bounds = array<i64: 1024, 1>}, {transform_indices = @transform_8, window_bounds = array<i64: 1024, 1>}]} {
    %get3A = arith.constant 0 : index
    %get3A_0 = arith.constant 0 : index
    %get3A_1 = vector.load %arg1[%get3A, %get3A_0] : memref<1024x1xf32, #tpu.memory_space<vmem>>, vector<1024x1xf32>
    %get3A_2 = arith.constant 0 : index
    %get3A_3 = arith.constant 0 : index
    %get3A_4 = vector.load %arg3[%get3A_2, %get3A_3] : memref<1024x1xf32, #tpu.memory_space<vmem>>, vector<1024x1xf32>
    %add3A = arith.addf %get3A_1, %get3A_4 : vector<1024x1xf32>
    %get3A_5 = arith.constant 0 : index
    %get3A_6 = arith.constant 0 : index
    %get3A_7 = vector.load %arg2[%get3A_5, %get3A_6] : memref<1024x1xf32, #tpu.memory_space<vmem>>, vector<1024x1xf32>
    %get3A_8 = arith.constant 0 : index
    %get3A_9 = arith.constant 0 : index
    %get3A_10 = vector.load %arg4[%get3A_8, %get3A_9] : memref<1024x1xf32, #tpu.memory_space<vmem>>, vector<1024x1xf32>
    %add3A_11 = arith.addf %get3A_7, %get3A_10 : vector<1024x1xf32>
    %max3A = arith.constant 1.000000e+00 : f32
    %max3A_12 = vector.broadcast %max3A : f32 to vector<1024x1xf32>
    %max3A_13 = arith.maximumf %add3A, %max3A_12 : vector<1024x1xf32>
    %rsqrt3A = math.rsqrt %max3A_13 : vector<1024x1xf32>
    %max3A_14 = arith.constant 1.000000e+00 : f32
    %max3A_15 = vector.broadcast %max3A_14 : f32 to vector<1024x1xf32>
    %max3A_16 = arith.maximumf %add3A_11, %max3A_15 : vector<1024x1xf32>
    %rsqrt3A_17 = math.rsqrt %max3A_16 : vector<1024x1xf32>
    %swap3A = arith.constant 0 : index
    %swap3A_18 = arith.constant 0 : index
    %swap3A_19 = vector.load %arg8[%swap3A, %swap3A_18] : memref<1024x1xf32, #tpu.memory_space<vmem>>, vector<1024x1xf32>
    tpu.vector_store %arg8[%swap3A, %swap3A_18], %rsqrt3A {strides = array<i32>} : memref<1024x1xf32, #tpu.memory_space<vmem>>, vector<1024x1xf32>,
    %swap3A_20 = arith.constant 0 : index
    %swap3A_21 = arith.constant 0 : index
    %swap3A_22 = vector.load %arg9[%swap3A_20, %swap3A_21] : memref<1024x1xf32, #tpu.memory_space<vmem>>, vector<1024x1xf32>
    tpu.vector_store %arg9[%swap3A_20, %swap3A_21], %rsqrt3A_17 {strides = array<i32>} : memref<1024x1xf32, #tpu.memory_space<vmem>>, vector<1024x1xf32>,
    %get3A_23 = arith.constant 0 : index
    %get3A_24 = arith.constant 0 : index
    %get3A_25 = vector.load %arg5[%get3A_23, %get3A_24] : memref<1024x128xf32, #tpu.memory_space<vmem>>, vector<1024x128xf32>
    %mul3A = vector.broadcast %rsqrt3A : vector<1024x1xf32> to vector<1024x128xf32>
    %mul3A_26 = arith.mulf %get3A_25, %mul3A : vector<1024x128xf32>
    %get3A_27 = arith.constant 0 : index
    %get3A_28 = arith.constant 0 : index
    %get3A_29 = vector.load %arg6[%get3A_27, %get3A_28] : memref<128x128xf32, #tpu.memory_space<vmem>>, vector<128x128xf32>
    %dot_general3A = arith.constant dense<0.000000e+00> : vector<1024x128xf32>
    %dot_general3A_30 = tpu.matmul %mul3A_26, %get3A_29, %dot_general3A {dimension_numbers = #tpu.dot_dimension_numbers<[1], [0], [0], [1], [0, 0, 1, 1], [], []>, transpose_lhs_hint = false} : vector<1024x128xf32>, vector<128x128xf32>, vector<1024x128xf32> -> vector<1024x128xf32>
    %swap3A_31 = arith.constant 0 : index
    %swap3A_32 = arith.constant 0 : index
    %swap3A_33 = vector.load %arg7[%swap3A_31, %swap3A_32] : memref<1024x128xf32, #tpu.memory_space<vmem>>, vector<1024x128xf32>
    tpu.vector_store %arg7[%swap3A_31, %swap3A_32], %dot_general3A_30 {strides = array<i32>} : memref<1024x128xf32, #tpu.memory_space<vmem>>, vector<1024x128xf32>,
    return
  }
  func.func @transform_0(%arg0: i32) -> (i32, i32) {
    %c0_i32 = arith.constant 0 : i32
    %c0_i32_0 = arith.constant 0 : i32
    return %arg0, %c0_i32 : i32, i32
  }
  func.func @transform_1(%arg0: i32) -> (i32, i32) {
    %c0_i32 = arith.constant 0 : i32
    %c0_i32_0 = arith.constant 0 : i32
    return %arg0, %c0_i32 : i32, i32
  }
  func.func @transform_2(%arg0: i32) -> (i32, i32) {
    %c0_i32 = arith.constant 0 : i32
    %c0_i32_0 = arith.constant 0 : i32
    return %arg0, %c0_i32 : i32, i32
  }
  func.func @transform_3(%arg0: i32) -> (i32, i32) {
    %c0_i32 = arith.constant 0 : i32
    %c0_i32_0 = arith.constant 0 : i32
    return %arg0, %c0_i32 : i32, i32
  }
  func.func @transform_4(%arg0: i32) -> (i32, i32) {
    %c0_i32 = arith.constant 0 : i32
    %c0_i32_0 = arith.constant 0 : i32
    return %arg0, %c0_i32 : i32, i32
  }
  func.func @transform_5(%arg0: i32) -> (i32, i32) {
    %c0_i32 = arith.constant 0 : i32
    %c0_i32_0 = arith.constant 0 : i32
    %c0_i32_1 = arith.constant 0 : i32
    return %c0_i32, %c0_i32_0 : i32, i32
  }
  func.func @transform_6(%arg0: i32) -> (i32, i32) {
    %c0_i32 = arith.constant 0 : i32
    %c0_i32_0 = arith.constant 0 : i32
    return %arg0, %c0_i32 : i32, i32
  }
  func.func @transform_7(%arg0: i32) -> (i32, i32) {
    %c0_i32 = arith.constant 0 : i32
    %c0_i32_0 = arith.constant 0 : i32
    return %arg0, %c0_i32 : i32, i32
  }
  func.func @transform_8(%arg0: i32) -> (i32, i32) {
    %c0_i32 = arith.constant 0 : i32
    %c0_i32_0 = arith.constant 0 : i32
    return %arg0, %c0_i32 : i32, i32
  }
}

module attributes {stable_mosaic.version = 14 : i64} {
  func.func @_tc3_body(%arg0: i32, %arg1: memref<2x1024x128xf32, #tpu.memory_space<vmem>>, %arg2: memref<1024x1xf32, #tpu.memory_space<vmem>>, %arg3: memref<1x128xf32, #tpu.memory_space<vmem>>, %arg4: memref<1024x128xf32, #tpu.memory_space<vmem>>) attributes {dimension_semantics = [#tpu.dimension_semantics<arbitrary>], iteration_bounds = array<i64: 10>, scalar_prefetch = 0 : i64, scratch_operands = 0 : i64, tpu.core_type = #tpu.core_type<tc>, window_params = [{transform_indices = @transform_0, window_bounds = array<i64: 2, 1024, 128>}, {transform_indices = @transform_1, window_bounds = array<i64: 1024, 1>}, {pipeline_mode = #tpu.pipeline_mode<synchronous>, transform_indices = @transform_2, window_bounds = array<i64: 1, 128>}, {transform_indices = @transform_3, window_bounds = array<i64: 1024, 128>}]} {
    %get3A = arith.constant 0 : index
    %get3A_0 = arith.constant 0 : index
    %get3A_1 = arith.constant 0 : index
    %get3A_2 = vector.load %arg1[%get3A, %get3A_0, %get3A_1] : memref<2x1024x128xf32, #tpu.memory_space<vmem>>, vector<1x1024x128xf32>
    %get3A_3 = vector.shape_cast %get3A_2 : vector<1x1024x128xf32> to vector<1024x128xf32>
    %get3A_4 = arith.constant 1 : index
    %get3A_5 = arith.constant 0 : index
    %get3A_6 = arith.constant 0 : index
    %get3A_7 = vector.load %arg1[%get3A_4, %get3A_5, %get3A_6] : memref<2x1024x128xf32, #tpu.memory_space<vmem>>, vector<1x1024x128xf32>
    %get3A_8 = vector.shape_cast %get3A_7 : vector<1x1024x128xf32> to vector<1024x128xf32>
    %add3A = arith.addf %get3A_3, %get3A_8 : vector<1024x128xf32>
    %get3A_9 = arith.constant 0 : index
    %get3A_10 = arith.constant 0 : index
    %get3A_11 = vector.load %arg2[%get3A_9, %get3A_10] : memref<1024x1xf32, #tpu.memory_space<vmem>>, vector<1024x1xf32>
    %mul3A = vector.broadcast %get3A_11 : vector<1024x1xf32> to vector<1024x128xf32>
    %mul3A_12 = arith.mulf %add3A, %mul3A : vector<1024x128xf32>
    %get3A_13 = arith.constant 0 : index
    %get3A_14 = arith.constant 0 : index
    %get3A_15 = vector.load %arg3[%get3A_13, %get3A_14] : memref<1x128xf32, #tpu.memory_space<vmem>>, vector<1x128xf32>
    %add3A_16 = vector.broadcast %get3A_15 : vector<1x128xf32> to vector<1024x128xf32>
    %add3A_17 = arith.addf %mul3A_12, %add3A_16 : vector<1024x128xf32>
    %swap3A = arith.constant 0 : index
    %swap3A_18 = arith.constant 0 : index
    %swap3A_19 = vector.load %arg4[%swap3A, %swap3A_18] : memref<1024x128xf32, #tpu.memory_space<vmem>>, vector<1024x128xf32>
    tpu.vector_store %arg4[%swap3A, %swap3A_18], %add3A_17 {strides = array<i32>} : memref<1024x128xf32, #tpu.memory_space<vmem>>, vector<1024x128xf32>,
    return
  }
  func.func @transform_0(%arg0: i32) -> (i32, i32, i32) {
    %c0_i32 = arith.constant 0 : i32
    %c0_i32_0 = arith.constant 0 : i32
    %c0_i32_1 = arith.constant 0 : i32
    return %c0_i32, %arg0, %c0_i32_0 : i32, i32, i32
  }
  func.func @transform_1(%arg0: i32) -> (i32, i32) {
    %c0_i32 = arith.constant 0 : i32
    %c0_i32_0 = arith.constant 0 : i32
    return %arg0, %c0_i32 : i32, i32
  }
  func.func @transform_2(%arg0: i32) -> (i32, i32) {
    %c0_i32 = arith.constant 0 : i32
    %c0_i32_0 = arith.constant 0 : i32
    %c0_i32_1 = arith.constant 0 : i32
    return %c0_i32, %c0_i32_0 : i32, i32
  }
  func.func @transform_3(%arg0: i32) -> (i32, i32) {
    %c0_i32 = arith.constant 0 : i32
    %c0_i32_0 = arith.constant 0 : i32
    return %arg0, %c0_i32 : i32, i32
  }
}

module attributes {stable_mosaic.version = 14 : i64} {
  func.func @_tc2_body(%arg0: i32, %arg1: memref<2x1024x128xf32, #tpu.memory_space<vmem>>, %arg2: memref<1024x1xf32, #tpu.memory_space<vmem>>, %arg3: memref<1024x1xf32, #tpu.memory_space<vmem>>, %arg4: memref<1x128xf32, #tpu.memory_space<vmem>>, %arg5: memref<128x128xf32, #tpu.memory_space<vmem>>, %arg6: memref<1024x128xf32, #tpu.memory_space<vmem>>) attributes {dimension_semantics = [#tpu.dimension_semantics<arbitrary>], iteration_bounds = array<i64: 10>, scalar_prefetch = 0 : i64, scratch_operands = 0 : i64, tpu.core_type = #tpu.core_type<tc>, window_params = [{transform_indices = @transform_0, window_bounds = array<i64: 2, 1024, 128>}, {transform_indices = @transform_1, window_bounds = array<i64: 1024, 1>}, {transform_indices = @transform_2, window_bounds = array<i64: 1024, 1>}, {pipeline_mode = #tpu.pipeline_mode<synchronous>, transform_indices = @transform_3, window_bounds = array<i64: 1, 128>}, {pipeline_mode = #tpu.pipeline_mode<synchronous>, transform_indices = @transform_4, window_bounds = array<i64: 128, 128>}, {transform_indices = @transform_5, window_bounds = array<i64: 1024, 128>}]} {
    %get3A = arith.constant 0 : index
    %get3A_0 = arith.constant 0 : index
    %get3A_1 = arith.constant 0 : index
    %get3A_2 = vector.load %arg1[%get3A, %get3A_0, %get3A_1] : memref<2x1024x128xf32, #tpu.memory_space<vmem>>, vector<1x1024x128xf32>
    %get3A_3 = vector.shape_cast %get3A_2 : vector<1x1024x128xf32> to vector<1024x128xf32>
    %get3A_4 = arith.constant 1 : index
    %get3A_5 = arith.constant 0 : index
    %get3A_6 = arith.constant 0 : index
    %get3A_7 = vector.load %arg1[%get3A_4, %get3A_5, %get3A_6] : memref<2x1024x128xf32, #tpu.memory_space<vmem>>, vector<1x1024x128xf32>
    %get3A_8 = vector.shape_cast %get3A_7 : vector<1x1024x128xf32> to vector<1024x128xf32>
    %add3A = arith.addf %get3A_3, %get3A_8 : vector<1024x128xf32>
    %get3A_9 = arith.constant 0 : index
    %get3A_10 = arith.constant 0 : index
    %get3A_11 = vector.load %arg3[%get3A_9, %get3A_10] : memref<1024x1xf32, #tpu.memory_space<vmem>>, vector<1024x1xf32>
    %mul3A = vector.broadcast %get3A_11 : vector<1024x1xf32> to vector<1024x128xf32>
    %mul3A_12 = arith.mulf %add3A, %mul3A : vector<1024x128xf32>
    %get3A_13 = arith.constant 0 : index
    %get3A_14 = arith.constant 0 : index
    %get3A_15 = vector.load %arg4[%get3A_13, %get3A_14] : memref<1x128xf32, #tpu.memory_space<vmem>>, vector<1x128xf32>
    %add3A_16 = vector.broadcast %get3A_15 : vector<1x128xf32> to vector<1024x128xf32>
    %add3A_17 = arith.addf %mul3A_12, %add3A_16 : vector<1024x128xf32>
    %max3A = arith.constant 0.000000e+00 : f32
    %max3A_18 = vector.broadcast %max3A : f32 to vector<1024x128xf32>
    %max3A_19 = arith.maximumf %add3A_17, %max3A_18 : vector<1024x128xf32>
    %get3A_20 = arith.constant 0 : index
    %get3A_21 = arith.constant 0 : index
    %get3A_22 = vector.load %arg2[%get3A_20, %get3A_21] : memref<1024x1xf32, #tpu.memory_space<vmem>>, vector<1024x1xf32>
    %mul3A_23 = vector.broadcast %get3A_22 : vector<1024x1xf32> to vector<1024x128xf32>
    %mul3A_24 = arith.mulf %max3A_19, %mul3A_23 : vector<1024x128xf32>
    %get3A_25 = arith.constant 0 : index
    %get3A_26 = arith.constant 0 : index
    %get3A_27 = vector.load %arg5[%get3A_25, %get3A_26] : memref<128x128xf32, #tpu.memory_space<vmem>>, vector<128x128xf32>
    %dot_general3A = arith.constant dense<0.000000e+00> : vector<1024x128xf32>
    %dot_general3A_28 = tpu.matmul %mul3A_24, %get3A_27, %dot_general3A {dimension_numbers = #tpu.dot_dimension_numbers<[1], [0], [0], [1], [0, 0, 1, 1], [], []>, transpose_lhs_hint = false} : vector<1024x128xf32>, vector<128x128xf32>, vector<1024x128xf32> -> vector<1024x128xf32>
    %swap3A = arith.constant 0 : index
    %swap3A_29 = arith.constant 0 : index
    %swap3A_30 = vector.load %arg6[%swap3A, %swap3A_29] : memref<1024x128xf32, #tpu.memory_space<vmem>>, vector<1024x128xf32>
    tpu.vector_store %arg6[%swap3A, %swap3A_29], %dot_general3A_28 {strides = array<i32>} : memref<1024x128xf32, #tpu.memory_space<vmem>>, vector<1024x128xf32>,
    return
  }
  func.func @transform_0(%arg0: i32) -> (i32, i32, i32) {
    %c0_i32 = arith.constant 0 : i32
    %c0_i32_0 = arith.constant 0 : i32
    %c0_i32_1 = arith.constant 0 : i32
    return %c0_i32, %arg0, %c0_i32_0 : i32, i32, i32
  }
  func.func @transform_1(%arg0: i32) -> (i32, i32) {
    %c0_i32 = arith.constant 0 : i32
    %c0_i32_0 = arith.constant 0 : i32
    return %arg0, %c0_i32 : i32, i32
  }
  func.func @transform_2(%arg0: i32) -> (i32, i32) {
    %c0_i32 = arith.constant 0 : i32
    %c0_i32_0 = arith.constant 0 : i32
    return %arg0, %c0_i32 : i32, i32
  }
  func.func @transform_3(%arg0: i32) -> (i32, i32) {
    %c0_i32 = arith.constant 0 : i32
    %c0_i32_0 = arith.constant 0 : i32
    %c0_i32_1 = arith.constant 0 : i32
    return %c0_i32, %c0_i32_0 : i32, i32
  }
  func.func @transform_4(%arg0: i32) -> (i32, i32) {
    %c0_i32 = arith.constant 0 : i32
    %c0_i32_0 = arith.constant 0 : i32
    %c0_i32_1 = arith.constant 0 : i32
    return %c0_i32, %c0_i32_0 : i32, i32
  }
  func.func @transform_5(%arg0: i32) -> (i32, i32) {
    %c0_i32 = arith.constant 0 : i32
    %c0_i32_0 = arith.constant 0 : i32
    return %arg0, %c0_i32 : i32, i32
  }
}

</mosaic_0001>

<sc_bundles>
// kernel: kernel.11.cloned.1.call-start
scs
__scs_entry_jumppad:
0x0: {  	(pc) =	sbr.rel $0x88, $3  }
0x1: {  	(tag) =	ssettag $0x0;
	lr =	simm.s32 $0x1  }
0x2: {  	[smem:$0x3F9B] =	sst lr;
	_ =	strace $0xD0000000  }
0x3: {  	_ = 	snop  }
0x4: {  	_ = 	snop  }
0x5: {  	_ = 	snop  }
0x6: {  	_ = 	snop  }
0x7: {  	_ = 	snop  }
__scs_overlays_trampoline_lowered:
0x8: {  	[smem:$0x3FAA] =	sst s0  }
0x9: {  	[smem:$0x3FAB] =	sst s1  }
0xa: {  	[smem:$0x3FAC] =	sst s2  }
0xb: {  	[smem:$0x3FAD] =	sst s3  }
0xc: {  	[smem:$0x3FAE] =	sst s4  }
0xd: {  	[smem:$0x3FAF] =	sst s5  }
0xe: {  	[smem:$0x3FB0] =	sst s6  }
0xf: {  	[smem:$0x3FB1] =	sst s7  }
0x10: {  	[smem:$0x3FB2] =	sst s8  }
0x11: {  	[smem:$0x3FB3] =	sst s9;
	s0 =	simm.s32 @!p0 $0x0  }
0x12: {  	s1 =	sld [smem:$0x3F99];
	s0 =	simm.s32 @p0 $0x1  }
0x13: {  	[smem:$0x3FB4] =	sst s0;
	s0 =	simm.s32 @!p1 $0x0  }
0x14: {  	s2 =	sld [smem:$0x3F98];
	s0 =	simm.s32 @p1 $0x1  }
0x15: {  	[smem:$0x3FB5] =	sst s0;
	s0 =	simm.s32 @!p2 $0x0  }
0x16: {  	s3 =	sld [smem:$0x3FDB];
	s0 =	simm.s32 @p2 $0x1  }
0x17: {  	s4 =	simm.s32 $0x1BF5;
	[smem:$0x3FB7] =	sst s0  }
0x18: {  	s0 =	sld [smem:$0x3F9A];
	_ =	swait.ge [sflag:s4], $0x0  }
0x19: {  	s7 =	sld [smem:$0x3F9B]  }
0x1a: {  	s8 =	sadd.s32 $0xFFFFE003, lr  }
0x1b: {  	s9 =	sadd.s32 $0xFFFFFEF7, lr;
	s5 =	simm.s32 $0xFFFFFFFF;
	p2 =	slt.u32 s8, $0xFFFFF086  }
0x1c: {  	p1 =	slt.u32 s9, $0xF7A;
	s5 =	simm.s32 @!p2 $0x0  }
0x1d: {  	s5 =	simm.s32 @p1 $0x1;
	p0 =	seq.s32 s7, s2  }
0x1e: {  	s7 =	smul.u32 @!p0 $0xF7A, s2;
	p2 =	seq.s32 @!p0 s5, $0x0  }
0x1f: {  	s9 =	smul.u32 $0xF7A, s1;
	s8 =	simm.s32 @!p0 $0x1BF5;
	p2 =	por !p2, p0  }
0x20: {  	[sflag:s8] =	ssyncset.s32 @!p0 $0xFFFFF086;
	s6 =	sadd.s32 @!p0 s3, s7;
	s7 =	simm.s32 @!p0 $0x108  }
0x21: {  	s3 =	sadd.s32 s3, s9;
	s6 =	sadd.s32 @!p0 $0x88, s6;
	s7 =	simm.s32 @p2 $0x1082  }
0x22: {  	[simem:s7], [sflag:s8] =	dma.local @!p0 [hbm:s6], $0xF7A  }
0x23: {  	s9 =	sor.u32 $0xD0000000, s2;
	s6 =	simm.s32 $0x108;
	_ =	swait.ge @!p0 [sflag:s8], $0x0  }
0x24: {  	s3 =	sadd.s32 $0x88, s3;
	s6 =	simm.s32 @!p1 $0x1082;
	[sflag:s4] =	ssyncset.s32 $0xFFFFF086  }
0x25: {  	[simem:s6], [sflag:s4] =	dma.local [hbm:s3], $0xF7A  }
0x26: {  	[smem:$0x3F9B] =	sst s1;
	(tag) =	ssettag s2;
	_ =	strace s9  }
0x27: {  	s1 =	sld [smem:$0x3FAB]  }
0x28: {  	s2 =	sld [smem:$0x3FAC]  }
0x29: {  	s4 =	sld [smem:$0x3FAE]  }
0x2a: {  	p0 =	seq.s32 s5, $0x0;
	s5 =	sld [smem:$0x3FAF]  }
0x2b: {  	s6 =	sld [smem:$0x3FB0]  }
0x2c: {  	s7 =	sld [smem:$0x3FB1]  }
0x2d: {  	s3 =	simm.s32 $0x108;
	s8 =	sld [smem:$0x3FB2]  }
0x2e: {  	s3 =	simm.s32 @!p0 $0x1082;
	s9 =	sld [smem:$0x3FB3]  }
0x2f: {  	lr =	sadd.s32 s0, s3;
	s0 =	sld [smem:$0x3FAA]  }
0x30: {  	s3 =	sld [smem:$0x3FAD]  }
0x31: {  	[smem:$0x3FB6] =	sst s10  }
0x32: {  	s10 =	sld [smem:$0x3FB4];
	_ =	sdelay $0x3  }
0x33: {  	p0 =	seq.s32 s10, $0x1;
	s10 =	sld [smem:$0x3FB6];
	_ =	sdelay $0x3  }
0x34: {  	[smem:$0x3FB6] =	sst s10  }
0x35: {  	s10 =	sld [smem:$0x3FB5];
	_ =	sdelay $0x3  }
0x36: {  	p1 =	seq.s32 s10, $0x1;
	s10 =	sld [smem:$0x3FB6];
	_ =	sdelay $0x3  }
0x37: {  	[smem:$0x3FB6] =	sst s10  }
0x38: {  	s10 =	sld [smem:$0x3FB7]  }
0x39: {  	_ = 	snop;
	(pc) =	sbr.ind lr, $3  }
0x3a: {  	_ = 	snop  }
0x3b: {  	_ = 	snop  }
0x3c: {  	p2 =	seq.s32 s10, $0x1;
	s10 =	sld [smem:$0x3FB6]  }
0x3d: {  	_ =	shalt  }
0x3e: {  	_ =	shalt  }
0x3f: {  	_ =	shalt  }
0x40: {  	_ =	shalt  }
0x41: {  	_ =	shalt  }
0x42: {  	_ =	shalt  }
0x43: {  	_ =	shalt  }
0x44: {  	_ =	shalt  }
0x45: {  	_ =	shalt  }
0x46: {  	_ =	shalt  }
0x47: {  	_ =	shalt  }
0x48: {  	_ =	shalt  }
0x49: {  	_ =	shalt  }
0x4a: {  	_ =	shalt  }
0x4b: {  	_ =	shalt  }
0x4c: {  	_ =	shalt  }
0x4d: {  	_ =	shalt  }
0x4e: {  	_ =	shalt  }
0x4f: {  	_ =	shalt  }
0x50: {  	_ =	shalt  }
0x51: {  	_ =	shalt  }
0x52: {  	_ =	shalt  }
0x53: {  	_ =	shalt  }
0x54: {  	_ =	shalt  }
0x55: {  	_ =	shalt  }
0x56: {  	_ =	shalt  }
0x57: {  	_ =	shalt  }
0x58: {  	_ =	shalt  }
0x59: {  	_ =	shalt  }
0x5a: {  	_ =	shalt  }
0x5b: {  	_ =	shalt  }
0x5c: {  	_ =	shalt  }
0x5d: {  	_ =	shalt  }
0x5e: {  	_ =	shalt  }
0x5f: {  	_ =	shalt  }
0x60: {  	_ =	shalt  }
0x61: {  	_ =	shalt  }
0x62: {  	_ =	shalt  }
0x63: {  	_ =	shalt  }
0x64: {  	_ =	shalt  }
0x65: {  	_ =	shalt  }
0x66: {  	_ =	shalt  }
0x67: {  	_ =	shalt  }
0x68: {  	_ =	shalt  }
0x69: {  	_ =	shalt  }
0x6a: {  	_ =	shalt  }
0x6b: {  	_ =	shalt  }
0x6c: {  	_ =	shalt  }
0x6d: {  	_ =	shalt  }
0x6e: {  	_ =	shalt  }
0x6f: {  	_ =	shalt  }
0x70: {  	_ =	shalt  }
0x71: {  	_ =	shalt  }
0x72: {  	_ =	shalt  }
0x73: {  	_ =	shalt  }
0x74: {  	_ =	shalt  }
0x75: {  	_ =	shalt  }
0x76: {  	_ =	shalt  }
0x77: {  	_ =	shalt  }
0x78: {  	_ =	shalt  }
0x79: {  	_ =	shalt  }
0x7a: {  	_ =	shalt  }
0x7b: {  	_ =	shalt  }
0x7c: {  	_ =	shalt  }
0x7d: {  	_ =	shalt  }
0x7e: {  	_ =	shalt  }
0x7f: {  	_ =	shalt  }
0x80: {  	_ =	shalt  }
0x81: {  	_ =	shalt  }
0x82: {  	_ =	shalt  }
0x83: {  	_ =	shalt  }
0x84: {  	_ =	shalt  }
0x85: {  	_ =	shalt  }
0x86: {  	_ =	shalt  }
0x87: {  	_ =	shalt  }
.Lfunc_end0:
.L_simem_size_0:
called_computation.1_lowered:
.L_overlay_start_0:
0x88: {  	s2 =	sld [smem:$0x3FD9]  }
0x89: {  	s3 =	sld [smem:$0x3FFE];
	_ =	sdelay $0x1  }
0x8a: {  	s1 =	srdreg.scid  }
0x8b: {  	s0 =	sand.u32 $0x1, s1  }
0x8c: {  	s17 =	sshll.u32 s0, $0xA;
	s2 =	sadd.s32 s3, s2  }
0x8d: {  	s2 =	sadd.s32 s2, s17  }
0x8e: {  	[smem:$0x3FC2] =	sst s2  }
0x8f: {  	_ = 	snop  }
0x90: {  	s2 =	sld [smem:$0x3FD0];
	(tm) =	ssettm $0x1  }
0x91: {  	s18 =	sld [smem:$0x3FFB];
	_ =	sdelay $0x3  }
0x92: {  	_ =	strace s18  }
0x93: {  	s3 =	sld [smem:$0x3FFC];
	_ =	sdelay $0x3  }
0x94: {  	_ =	strace s3  }
0x95: {  	s3 =	sld [smem:$0x3FFD];
	_ =	sdelay $0x3  }
0x96: {  	_ =	strace s3  }
0x97: {  	_ =	strace $0x8FFFFFFF  }
0x98: {  	s19 =	sld [smem:$0x3FDB];
	_ =	sdelay $0x1  }
0x99: {  	s4 =	simm.s32 $_scs_section_size  }
0x9a: {  	s5 =	simm.s32 $_size__tile_overlayer_lowered;
	s6 =	simm.s32 $_tile_overlayer_lowered  }
0x9b: {  	s22 =	simm.s32 $0x1BFF;
	s21 =	sshll.u32 s6, $0x1;
	s3 =	sadd.s32 s4, s19  }
0x9c: {  	s7 =	simm.s32 $0x0;
	s20 =	sshll.u32 s5, $0x1;
	s5 =	sadd.s32 s21, s3  }
0x9d: {  	[timem:s7], [sflag:s22] =	dma.local [hbm:s5], s20  }
0x9e: {  	_ =	swait.ge [sflag:s22], s20  }
0x9f: {  	s4 =	ssub.s32 $0x0, s20;
	[sflag:s22] =	ssyncset.done $0x0  }
0xa0: {  	[sflag:s22] =	ssyncadd.s32 s4;
	_ =	sdelay $0x1  }
0xa1: {  	s23 =	simm.s32 $0x1B8B  }
0xa2: {  	_ =	swait.ge [sflag:s23], $0x1  }
0xa3: {  	[sflag:s23] =	ssyncset.done $0x0  }
0xa4: {  	s25 =	simm.s32 $0x1B8E;
	s24 =	sld [smem:$0x3FFE];
	[sflag:s23] =	ssyncadd.s32 $0xFFFFFFFF  }
0xa5: {  	s26 =	simm.s32 $execute0_lowered;
	[smem:$0x3FD2] =	sst s25  }
0xa6: {  	s5 =	sshll.u32 s26, $0x1;
	_ =	strace $0x80000049;
	[dreg:$0x1] =	wrdreg $0xFFFFFFFF  }
0xa7: {  	s28 =	simm.s32 $_size_execute0_lowered;
	s3 =	sadd.s32 s3, s5;
	[dreg:$0x0] =	wrdreg $0x0  }
0xa8: {  	s5 =	sshll.u32 s28, $0x1;
	[dreg:$0x2] =	wrdreg s3  }
0xa9: {  	[dreg:$0x3] =	wrdreg s5  }
0xaa: {  	[dreg:$0x4] =	wrdreg $0xC0  }
0xab: {  	_ =	task [dreg:s7], $0x5FFFF  }
0xac: {  	[dreg:$0x1] =	wrdreg $0xFFFFFFFF  }
0xad: {  	[dreg:$0x0] =	wrdreg $0x60  }
0xae: {  	[dreg:$0x2] =	wrdreg s24  }
0xaf: {  	[dreg:$0x3] =	wrdreg s2  }
0xb0: {  	[dreg:$0x4] =	wrdreg $0x41000  }
0xb1: {  	[dreg:$0x5] =	wrdreg $0x9  }
0xb2: {  	_ =	task.clear_ibuf [dreg:s7], $0x6FFFF;
	_ =	strace $0x90000049  }
0xb3: {  	s29 =	simm.s32 $0x9;
	_ =	strace $0x8000004B  }
0xb4: {  	_ =	swait.ge [sflag:s29], $0x1  }
0xb5: {  	[sflag:s29] =	ssyncadd.s32 $0xFFFFFFFF  }
0xb6: {  	_ =	strace $0x9000004B  }
0xb7: {  	_ =	sfence  }
0xb8: {  	s30 =	sld [smem:$0x0];
	_ =	sdelay $0x2  }
0xb9: {  	s31 =	sshll.u32 s1, $0xD;
	s1 =	sshrl.u32 s1, $0x2  }
0xba: {  	s3 =	sand.u32 $0x4000, s31;
	s1 =	sadd.s32 s1, s30  }
0xbb: {  	s0 =	sor.u32 s3, s0;
	s1 =	sshll.u32 s1, $0x11  }
0xbc: {  	s0 =	sor.u32 s1, s0  }
0xbd: {  	s0 =	sadd.s32 $0x8F2B, s0  }
0xbe: {  	[sflag:s0] =	ssyncadd.remote.s32 $0x1  }
0xbf: {  	_ =	sfence.sel $0xFFFF  }
0xc0: {  	[dreg:$0x0] =	wrdreg $0xFFFFFFFF;
	(pc) =	sbr.abs _section_cstart, $3  }
0xc1: {  	[dreg:$0x1] =	wrdreg $0xFFFFFFFF  }
0xc2: {  	_ =	task.clear_ibuf [dreg:s7], $0x2FFFF;
	_ =	strace $0x9FFFFFFF  }
0xc3: {  	(tm) =	ssettm $0x7FFFFFFF  }
tec
execute0_lowered:
.L_overlay_start_1:
0x0: {  	(tag) =	ssettag $0x1  }
0x1: {  	s6 =	rddreg [dreg:$0x0]  }
0x2: {  	s11 =	rddreg [dreg:$0x1]  }
0x3: {  	s0 =	srdreg.scid;
	s2 =	rddreg [dreg:$0x2]  }
0x4: {  	s1 =	stileid.u32;
	s3 =	simm.s32 $0x0;
	s17 =	simm.s32 $0x1  }
0x5: {  	s10 =	sand.u32 $0x1, s0;
	s0 =	rddreg [dreg:$0x3];
	s5 =	smul.u32 $0x14000, s1  }
0x6: {  	[smem:$0x7FF] =	sst s3;
	s12 =	sadd.s32 $0x1E00, s6;
	s13 =	smul.u32 $0x50000, s1  }
0x7: {  	s15 =	sshll.u32 s1, $0x4;
	s29 =	sshll.u32 s1, $0x6;
	s4 =	smul.u32 $0x140000, s10  }
0x8: {  	_ =	strace $0x8000004A;
	s25 =	ssub.s32 $0x2, s10;
	s8 =	sshll.u32 s10, $0x4  }
0x9: {  	s30 =	sor.u32 $0x9C00, s15;
	s16 =	sshll.u32 s10, $0x8;
	s26 =	sshrl.u32 s25, $0x1  }
0xa: {  	s18 =	sor.u32 s1, s8;
	s28 =	sshrl.u32 s13, $0x2;
	s8 =	sadd.s32 s11, s30  }
0xb: {  	s31 =	sadd.s32 s16, s11;
	s5 =	sadd.s32 s5, s4;
	s4 =	sadd.s32 $0xBC00, s6  }
0xc: {  	s14 =	ssub.s32 s25, s26;
	s13 =	sadd.s32 s28, s2;
	p0 =	sgt.u32 s18, $0x3  }
0xd: {  	s18 =	simm.s32 $0x0;
	s7 =	sshrl.u32 s5, $0x3;
	s5 =	sadd.s32 $0x33C00, s6  }
0xe: {  	s10 =	smax.u32 s14, $0x1;
	s13 =	sshrl.u32 s13, $0x3;
	s14 =	simm.s32 $0x2  }
0xf: {  	s9 =	sadd.s32 s7, s6;
	s6 =	sor.u32 $0x1C02, s29;
	s7 =	sadd.s32 s12, s30  }
0x10: {  	s12 =	sadd.s32 s16, s12;
	s16 =	simm.s32 $0x100;
	s9 =	sadd.s32 $0x36400, s9  }
0x11: {  	s11 =	sadd.s32 s15, s12;
	s12 =	sadd.s32 s15, s31;
	s15 =	simm.s32 $0x80  }
.LBB2_1:
0x12: {  	[spmem:s13], [sflag:s6] =	dma.local [hbm:s5], $0x2800  }
0x13: {  	_ =	swait.ge [sflag:s14], $0x2800  }
0x14: {  	[sflag:s14] =	ssyncset.done $0x0  }
0x15: {  	[sflag:s14] =	ssyncadd.s32 $0xFFFFD800  }
0x16: {  	s19 =	sadd.s32 $0x0, s11;
	[bflag:$0x0] =	sbarrier.arrive $0xFFFF  }
0x17: {  	[tilespmem:s3], [sflag:$0x2] =	stream.linear.gather [hbm4b:s19+s3], $0x80, $0x38;
	[tilespmem:$0x18100] =	vst v63  }
0x18: {  	_ =	swait.ge [sflag:s14], $0x80  }
0x19: {  	[sflag:s14] =	ssyncset.done $0x0  }
0x1a: {  	s31 =	sadd.s32 $0x0, s12;
	[sflag:s14] =	ssyncadd.s32 $0xFFFFFF80  }
0x1b: {  	[tilespmem:s15], [sflag:$0x2] =	stream.linear.gather [hbm4b:s31+s3], $0x80, $0x38;
	[tilespmem:$0x18100] =	vst v63  }
0x1c: {  	_ =	swait.ge [sflag:s14], $0x80  }
0x1d: {  	[sflag:s14] =	ssyncset.done $0x0  }
0x1e: {  	[sflag:s14] =	ssyncadd.s32 $0xFFFFFF80  }
0x1f: {  	[tilespmem:s16], [sflag:$0x1] =	stream.indirect.gather [hbm4b:s4+s15], $0x80, s3, s15, $0xb8;
	[tilespmem:$0x18100] =	vst v63  }
0x20: {  	_ =	swait.ge [sflag:s17], $0x4000  }
0x21: {  	[sflag:s17] =	ssyncset.done $0x0  }
0x22: {  	[sflag:s17] =	ssyncadd.s32 $0xFFFFC000  }
0x23: {  	[spmem:s2] =	stream.indirect.scatter.add.f32 [tilespmem:s16], [sflag:$0x2], $0x80, s15, s15, $0xb8;
	[tilespmem:$0x18100] =	vst v63  }
0x24: {  	_ =	swait.ge [sflag:s14], $0x4000  }
0x25: {  	s20 =	simm.s32 $0x400;
	s19 =	simm.s32 $0x200;
	[sflag:s14] =	ssyncset.done $0x0  }
.LBB2_2:
0x26: {  	s21 =	sadd.s32 s19, s11  }
0x27: {  	[sflag:s14] =	ssyncadd.s32 $0xFFFFC000;
	s22 =	smov.u32 s20;
	s23 =	sadd.s32 $0x200, s20  }
0x28: {  	[tilespmem:s3], [sflag:$0x2] =	stream.linear.gather [hbm4b:s21+s3], $0x80, $0x38;
	[tilespmem:$0x18100] =	vst v63  }
0x29: {  	p1 =	sne.s32 s20, $0x9A00;
	_ =	swait.ge [sflag:s14], $0x80  }
0x2a: {  	[sflag:s14] =	ssyncset.done $0x0  }
0x2b: {  	s20 =	sadd.s32 s19, s12;
	s19 =	smov.u32 s22;
	[sflag:s14] =	ssyncadd.s32 $0xFFFFFF80  }
0x2c: {  	[tilespmem:s15], [sflag:$0x2] =	stream.linear.gather [hbm4b:s20+s3], $0x80, $0x38;
	[tilespmem:$0x18100] =	vst v63  }
0x2d: {  	_ =	swait.ge [sflag:s14], $0x80  }
0x2e: {  	[sflag:s14] =	ssyncset.done $0x0  }
0x2f: {  	[sflag:s14] =	ssyncadd.s32 $0xFFFFFF80  }
0x30: {  	[tilespmem:s16], [sflag:$0x1] =	stream.indirect.gather [hbm4b:s4+s15], $0x80, s3, s15, $0xb8;
	[tilespmem:$0x18100] =	vst v63  }
0x31: {  	_ =	swait.ge [sflag:s17], $0x4000  }
.Ltmp0:
0x32: {  	[sflag:s17] =	ssyncset.done $0x0;
	(pc) =	sbr.rel @p1 .LBB2_2-.Ltmp0, $4  }
0x33: {  	[sflag:s17] =	ssyncadd.s32 $0xFFFFC000  }
0x34: {  	[spmem:s2] =	stream.indirect.scatter.add.f32 [tilespmem:s16], [sflag:$0x2], $0x80, s15, s15, $0xb8;
	[tilespmem:$0x18100] =	vst v63  }
0x35: {  	_ =	swait.ge [sflag:s14], $0x4000  }
0x36: {  	s20 =	smov.u32 s23;
	[sflag:s14] =	ssyncset.done $0x0  }
0x37: {  	s20 =	sadd.s32 s19, s11;
	[sflag:s14] =	ssyncadd.s32 $0xFFFFC000  }
0x38: {  	[tilespmem:s3], [sflag:$0x2] =	stream.linear.gather [hbm4b:s20+s3], $0x80, $0x38;
	[tilespmem:$0x18100] =	vst v63  }
0x39: {  	_ =	swait.ge [sflag:s14], $0x80  }
0x3a: {  	[sflag:s14] =	ssyncset.done $0x0  }
0x3b: {  	s31 =	sadd.s32 s19, s12;
	[sflag:s14] =	ssyncadd.s32 $0xFFFFFF80  }
0x3c: {  	[tilespmem:s15], [sflag:$0x2] =	stream.linear.gather [hbm4b:s31+s3], $0x80, $0x38;
	[tilespmem:$0x18100] =	vst v63  }
0x3d: {  	_ =	swait.ge [sflag:s14], $0x80  }
0x3e: {  	[sflag:s14] =	ssyncset.done $0x0  }
0x3f: {  	[sflag:s14] =	ssyncadd.s32 $0xFFFFFF80  }
0x40: {  	[tilespmem:s16], [sflag:$0x1] =	stream.indirect.gather [hbm4b:s4+s15], $0x80, s3, s15, $0xb8;
	[tilespmem:$0x18100] =	vst v63  }
0x41: {  	_ =	swait.ge [sflag:s17], $0x4000  }
0x42: {  	[sflag:s17] =	ssyncset.done $0x0  }
0x43: {  	[sflag:s17] =	ssyncadd.s32 $0xFFFFC000  }
0x44: {  	[spmem:s2] =	stream.indirect.scatter.add.f32 [tilespmem:s16], [sflag:$0x2], $0x80, s15, s15, $0xb8;
	[tilespmem:$0x18100] =	vst v63  }
0x45: {  	_ =	swait.ge [sflag:s14], $0x4000  }
0x46: {  	[sflag:s14] =	ssyncset.done $0x0  }
0x47: {  	s19 =	simm.s32 @!p0 $0x0;
	s20 =	simm.s32 @!p0 $0x2;
	[sflag:s14] =	ssyncadd.s32 $0xFFFFC000  }
0x48: {  	[tilespmem:s19], [sflag:$0x2] =	stream.linear.gather @!p0 [hbm4b:s7+s19], $0x80, $0x38;
	[tilespmem:$0x18100] =	vst v63  }
0x49: {  	_ =	swait.ge @!p0 [sflag:s20], $0x80  }
0x4a: {  	[sflag:s20] =	ssyncset.done @!p0 $0x0  }
0x4b: {  	s21 =	simm.s32 @!p0 $0x80;
	[sflag:s20] =	ssyncadd.s32 @!p0 $0xFFFFFF80  }
0x4c: {  	[tilespmem:s21], [sflag:$0x2] =	stream.linear.gather @!p0 [hbm4b:s8+s19], $0x80, $0x38;
	[tilespmem:$0x18100] =	vst v63  }
0x4d: {  	_ =	swait.ge @!p0 [sflag:s20], $0x80  }
0x4e: {  	[sflag:s20] =	ssyncset.done @!p0 $0x0  }
0x4f: {  	s22 =	simm.s32 @!p0 $0x100;
	[sflag:s20] =	ssyncadd.s32 @!p0 $0xFFFFFF80  }
0x50: {  	[tilespmem:s22], [sflag:$0x1] =	stream.indirect.gather @!p0 [hbm4b:s4+s21], $0x80, s19, s21, $0xb8;
	[tilespmem:$0x18100] =	vst v63  }
0x51: {  	s19 =	simm.s32 @!p0 $0x1  }
0x52: {  	_ =	swait.ge @!p0 [sflag:s19], $0x4000  }
0x53: {  	[sflag:s19] =	ssyncset.done @!p0 $0x0  }
0x54: {  	[sflag:s19] =	ssyncadd.s32 @!p0 $0xFFFFC000  }
0x55: {  	[spmem:s2] =	stream.indirect.scatter.add.f32 @!p0 [tilespmem:s22], [sflag:$0x2], $0x80, s21, s21, $0xb8;
	[tilespmem:$0x18100] =	vst v63  }
0x56: {  	_ =	swait.ge @!p0 [sflag:s20], $0x4000  }
0x57: {  	s18 =	sadd.s32 $0x1, s18;
	[sflag:s20] =	ssyncset.done @!p0 $0x0  }
0x58: {  	p1 =	sne.s32 s18, s10;
	[sflag:s20] =	ssyncadd.s32 @!p0 $0xFFFFC000  }
.Ltmp1:
0x59: {  	[bflag:$0x0] =	sbarrier.arrive $0xFFFF;
	(pc) =	sbr.rel @p1 .LBB2_1-.Ltmp1, $4  }
0x5a: {  	[hbm:s9], [sflag:s6] =	dma.local [spmem:s13], $0x2800  }
0x5b: {  	_ =	swait.ge [sflag:s14], $0x2800  }
0x5c: {  	[sflag:s14] =	ssyncset.done $0x0  }
0x5d: {  	[sflag:s14] =	ssyncadd.s32 $0xFFFFD800  }
0x5e: {  	_ =	sfence.sel $0x180000  }
0x5f: {  	[bflag:$0x0] =	sbarrier.arrive $0xFFFF  }
0x60: {  	p0 =	sne.s32 s1, $0x0;
	_ =	strace $0x9000004A  }
0x61: {  	s0 =	sadd.s32 @!p0 $0x100000, s0;
	[bflag:$0x2] =	sbarrier.arrive $0xFFFF  }
0x62: {  	[sflag:s0] =	ssyncadd.tile.s32 @!p0 $0x1;
	_ =	shalt  }
.Lfunc_end2:
_tile_overlayer_lowered:
.L_overlay_start_2:
0x63: {  	(tag) =	ssettag $0x2  }
0x64: {  	s0 =	rddreg [dreg:$0x0];
	s2 =	stileid.u32  }
0x65: {  	s1 =	rddreg [dreg:$0x1];
	p0 =	sne.s32 s2, $0x0  }
0x66: {  	s3 =	rddreg [dreg:$0x2];
	[bflag:$0x3] =	sbarrier.arrive $0xFFFF;
	s2 =	simm.s32 @!p0 $0x1C02  }
0x67: {  	[timem:s3], [sflag:s2] =	dma.local @!p0 [hbm:s0], s1  }
0x68: {  	s0 =	simm.s32 @!p0 $0x2  }
0x69: {  	_ =	swait.ge @!p0 [sflag:s0], s1  }
0x6a: {  	s1 =	ssub.s32 @!p0 $0x0, s1;
	[sflag:s0] =	ssyncset.done @!p0 $0x0  }
0x6b: {  	[sflag:s0] =	ssyncadd.s32 @!p0 s1  }
0x6c: {  	[bflag:$0x3] =	sbarrier.arrive $0xFFFF  }
0x6d: {  	_ =	shalt  }

// kernel: kernel.14.cloned.1.call-start
scs
__scs_entry_jumppad:
0x0: {  	(pc) =	sbr.rel $0x88, $3  }
0x1: {  	(tag) =	ssettag $0x0;
	lr =	simm.s32 $0x1  }
0x2: {  	[smem:$0x3F9B] =	sst lr;
	_ =	strace $0xD0000000  }
0x3: {  	_ = 	snop  }
0x4: {  	_ = 	snop  }
0x5: {  	_ = 	snop  }
0x6: {  	_ = 	snop  }
0x7: {  	_ = 	snop  }
__scs_overlays_trampoline_lowered:
0x8: {  	[smem:$0x3FAA] =	sst s0  }
0x9: {  	[smem:$0x3FAB] =	sst s1  }
0xa: {  	[smem:$0x3FAC] =	sst s2  }
0xb: {  	[smem:$0x3FAD] =	sst s3  }
0xc: {  	[smem:$0x3FAE] =	sst s4  }
0xd: {  	[smem:$0x3FAF] =	sst s5  }
0xe: {  	[smem:$0x3FB0] =	sst s6  }
0xf: {  	[smem:$0x3FB1] =	sst s7  }
0x10: {  	[smem:$0x3FB2] =	sst s8  }
0x11: {  	[smem:$0x3FB3] =	sst s9;
	s0 =	simm.s32 @!p0 $0x0  }
0x12: {  	s1 =	sld [smem:$0x3F99];
	s0 =	simm.s32 @p0 $0x1  }
0x13: {  	[smem:$0x3FB4] =	sst s0;
	s0 =	simm.s32 @!p1 $0x0  }
0x14: {  	s2 =	sld [smem:$0x3F98];
	s0 =	simm.s32 @p1 $0x1  }
0x15: {  	[smem:$0x3FB5] =	sst s0;
	s0 =	simm.s32 @!p2 $0x0  }
0x16: {  	s3 =	sld [smem:$0x3FDB];
	s0 =	simm.s32 @p2 $0x1  }
0x17: {  	s4 =	simm.s32 $0x1BF5;
	[smem:$0x3FB7] =	sst s0  }
0x18: {  	s0 =	sld [smem:$0x3F9A];
	_ =	swait.ge [sflag:s4], $0x0  }
0x19: {  	s7 =	sld [smem:$0x3F9B]  }
0x1a: {  	s8 =	sadd.s32 $0xFFFFE003, lr  }
0x1b: {  	s9 =	sadd.s32 $0xFFFFFEF7, lr;
	s5 =	simm.s32 $0xFFFFFFFF;
	p2 =	slt.u32 s8, $0xFFFFF086  }
0x1c: {  	p1 =	slt.u32 s9, $0xF7A;
	s5 =	simm.s32 @!p2 $0x0  }
0x1d: {  	s5 =	simm.s32 @p1 $0x1;
	p0 =	seq.s32 s7, s2  }
0x1e: {  	s7 =	smul.u32 @!p0 $0xF7A, s2;
	p2 =	seq.s32 @!p0 s5, $0x0  }
0x1f: {  	s9 =	smul.u32 $0xF7A, s1;
	s8 =	simm.s32 @!p0 $0x1BF5;
	p2 =	por !p2, p0  }
0x20: {  	[sflag:s8] =	ssyncset.s32 @!p0 $0xFFFFF086;
	s6 =	sadd.s32 @!p0 s3, s7;
	s7 =	simm.s32 @!p0 $0x108  }
0x21: {  	s3 =	sadd.s32 s3, s9;
	s6 =	sadd.s32 @!p0 $0x88, s6;
	s7 =	simm.s32 @p2 $0x1082  }
0x22: {  	[simem:s7], [sflag:s8] =	dma.local @!p0 [hbm:s6], $0xF7A  }
0x23: {  	s9 =	sor.u32 $0xD0000000, s2;
	s6 =	simm.s32 $0x108;
	_ =	swait.ge @!p0 [sflag:s8], $0x0  }
0x24: {  	s3 =	sadd.s32 $0x88, s3;
	s6 =	simm.s32 @!p1 $0x1082;
	[sflag:s4] =	ssyncset.s32 $0xFFFFF086  }
0x25: {  	[simem:s6], [sflag:s4] =	dma.local [hbm:s3], $0xF7A  }
0x26: {  	[smem:$0x3F9B] =	sst s1;
	(tag) =	ssettag s2;
	_ =	strace s9  }
0x27: {  	s1 =	sld [smem:$0x3FAB]  }
0x28: {  	s2 =	sld [smem:$0x3FAC]  }
0x29: {  	s4 =	sld [smem:$0x3FAE]  }
0x2a: {  	p0 =	seq.s32 s5, $0x0;
	s5 =	sld [smem:$0x3FAF]  }
0x2b: {  	s6 =	sld [smem:$0x3FB0]  }
0x2c: {  	s7 =	sld [smem:$0x3FB1]  }
0x2d: {  	s3 =	simm.s32 $0x108;
	s8 =	sld [smem:$0x3FB2]  }
0x2e: {  	s3 =	simm.s32 @!p0 $0x1082;
	s9 =	sld [smem:$0x3FB3]  }
0x2f: {  	lr =	sadd.s32 s0, s3;
	s0 =	sld [smem:$0x3FAA]  }
0x30: {  	s3 =	sld [smem:$0x3FAD]  }
0x31: {  	[smem:$0x3FB6] =	sst s10  }
0x32: {  	s10 =	sld [smem:$0x3FB4];
	_ =	sdelay $0x3  }
0x33: {  	p0 =	seq.s32 s10, $0x1;
	s10 =	sld [smem:$0x3FB6];
	_ =	sdelay $0x3  }
0x34: {  	[smem:$0x3FB6] =	sst s10  }
0x35: {  	s10 =	sld [smem:$0x3FB5];
	_ =	sdelay $0x3  }
0x36: {  	p1 =	seq.s32 s10, $0x1;
	s10 =	sld [smem:$0x3FB6];
	_ =	sdelay $0x3  }
0x37: {  	[smem:$0x3FB6] =	sst s10  }
0x38: {  	s10 =	sld [smem:$0x3FB7]  }
0x39: {  	_ = 	snop;
	(pc) =	sbr.ind lr, $3  }
0x3a: {  	_ = 	snop  }
0x3b: {  	_ = 	snop  }
0x3c: {  	p2 =	seq.s32 s10, $0x1;
	s10 =	sld [smem:$0x3FB6]  }
0x3d: {  	_ =	shalt  }
0x3e: {  	_ =	shalt  }
0x3f: {  	_ =	shalt  }
0x40: {  	_ =	shalt  }
0x41: {  	_ =	shalt  }
0x42: {  	_ =	shalt  }
0x43: {  	_ =	shalt  }
0x44: {  	_ =	shalt  }
0x45: {  	_ =	shalt  }
0x46: {  	_ =	shalt  }
0x47: {  	_ =	shalt  }
0x48: {  	_ =	shalt  }
0x49: {  	_ =	shalt  }
0x4a: {  	_ =	shalt  }
0x4b: {  	_ =	shalt  }
0x4c: {  	_ =	shalt  }
0x4d: {  	_ =	shalt  }
0x4e: {  	_ =	shalt  }
0x4f: {  	_ =	shalt  }
0x50: {  	_ =	shalt  }
0x51: {  	_ =	shalt  }
0x52: {  	_ =	shalt  }
0x53: {  	_ =	shalt  }
0x54: {  	_ =	shalt  }
0x55: {  	_ =	shalt  }
0x56: {  	_ =	shalt  }
0x57: {  	_ =	shalt  }
0x58: {  	_ =	shalt  }
0x59: {  	_ =	shalt  }
0x5a: {  	_ =	shalt  }
0x5b: {  	_ =	shalt  }
0x5c: {  	_ =	shalt  }
0x5d: {  	_ =	shalt  }
0x5e: {  	_ =	shalt  }
0x5f: {  	_ =	shalt  }
0x60: {  	_ =	shalt  }
0x61: {  	_ =	shalt  }
0x62: {  	_ =	shalt  }
0x63: {  	_ =	shalt  }
0x64: {  	_ =	shalt  }
0x65: {  	_ =	shalt  }
0x66: {  	_ =	shalt  }
0x67: {  	_ =	shalt  }
0x68: {  	_ =	shalt  }
0x69: {  	_ =	shalt  }
0x6a: {  	_ =	shalt  }
0x6b: {  	_ =	shalt  }
0x6c: {  	_ =	shalt  }
0x6d: {  	_ =	shalt  }
0x6e: {  	_ =	shalt  }
0x6f: {  	_ =	shalt  }
0x70: {  	_ =	shalt  }
0x71: {  	_ =	shalt  }
0x72: {  	_ =	shalt  }
0x73: {  	_ =	shalt  }
0x74: {  	_ =	shalt  }
0x75: {  	_ =	shalt  }
0x76: {  	_ =	shalt  }
0x77: {  	_ =	shalt  }
0x78: {  	_ =	shalt  }
0x79: {  	_ =	shalt  }
0x7a: {  	_ =	shalt  }
0x7b: {  	_ =	shalt  }
0x7c: {  	_ =	shalt  }
0x7d: {  	_ =	shalt  }
0x7e: {  	_ =	shalt  }
0x7f: {  	_ =	shalt  }
0x80: {  	_ =	shalt  }
0x81: {  	_ =	shalt  }
0x82: {  	_ =	shalt  }
0x83: {  	_ =	shalt  }
0x84: {  	_ =	shalt  }
0x85: {  	_ =	shalt  }
0x86: {  	_ =	shalt  }
0x87: {  	_ =	shalt  }
.Lfunc_end0:
.L_simem_size_0:
called_computation.2_lowered:
.L_overlay_start_0:
0x88: {  	s2 =	sld [smem:$0x3FD9]  }
0x89: {  	s3 =	sld [smem:$0x3FFE];
	_ =	sdelay $0x1  }
0x8a: {  	s1 =	srdreg.scid  }
0x8b: {  	s0 =	sand.u32 $0x1, s1  }
0x8c: {  	s17 =	sshll.u32 s0, $0xA;
	s2 =	sadd.s32 s3, s2  }
0x8d: {  	s2 =	sadd.s32 s2, s17  }
0x8e: {  	[smem:$0x3FC2] =	sst s2  }
0x8f: {  	_ = 	snop  }
0x90: {  	s2 =	sld [smem:$0x3FD0];
	(tm) =	ssettm $0x1  }
0x91: {  	s18 =	sld [smem:$0x3FFB];
	_ =	sdelay $0x3  }
0x92: {  	_ =	strace s18  }
0x93: {  	s3 =	sld [smem:$0x3FFC];
	_ =	sdelay $0x3  }
0x94: {  	_ =	strace s3  }
0x95: {  	s3 =	sld [smem:$0x3FFD];
	_ =	sdelay $0x3  }
0x96: {  	_ =	strace s3  }
0x97: {  	_ =	strace $0x8FFFFFFF  }
0x98: {  	s19 =	sld [smem:$0x3FDB];
	_ =	sdelay $0x1  }
0x99: {  	s4 =	simm.s32 $_scs_section_size  }
0x9a: {  	s5 =	simm.s32 $_size__tile_overlayer_lowered;
	s6 =	simm.s32 $_tile_overlayer_lowered  }
0x9b: {  	s22 =	simm.s32 $0x1BFF;
	s21 =	sshll.u32 s6, $0x1;
	s3 =	sadd.s32 s4, s19  }
0x9c: {  	s7 =	simm.s32 $0x0;
	s20 =	sshll.u32 s5, $0x1;
	s5 =	sadd.s32 s21, s3  }
0x9d: {  	[timem:s7], [sflag:s22] =	dma.local [hbm:s5], s20  }
0x9e: {  	_ =	swait.ge [sflag:s22], s20  }
0x9f: {  	s4 =	ssub.s32 $0x0, s20;
	[sflag:s22] =	ssyncset.done $0x0  }
0xa0: {  	[sflag:s22] =	ssyncadd.s32 s4;
	_ =	sdelay $0x1  }
0xa1: {  	s23 =	simm.s32 $0x1B8B  }
0xa2: {  	_ =	swait.ge [sflag:s23], $0x1  }
0xa3: {  	[sflag:s23] =	ssyncset.done $0x0  }
0xa4: {  	s25 =	simm.s32 $0x1B8E;
	s24 =	sld [smem:$0x3FFE];
	[sflag:s23] =	ssyncadd.s32 $0xFFFFFFFF  }
0xa5: {  	s26 =	simm.s32 $execute0_lowered;
	[smem:$0x3FD2] =	sst s25  }
0xa6: {  	s5 =	sshll.u32 s26, $0x1;
	_ =	strace $0x8000004C;
	[dreg:$0x1] =	wrdreg $0xFFFFFFFF  }
0xa7: {  	s28 =	simm.s32 $_size_execute0_lowered;
	s3 =	sadd.s32 s3, s5;
	[dreg:$0x0] =	wrdreg $0x0  }
0xa8: {  	s5 =	sshll.u32 s28, $0x1;
	[dreg:$0x2] =	wrdreg s3  }
0xa9: {  	[dreg:$0x3] =	wrdreg s5  }
0xaa: {  	[dreg:$0x4] =	wrdreg $0xC0  }
0xab: {  	_ =	task [dreg:s7], $0x5FFFF  }
0xac: {  	[dreg:$0x1] =	wrdreg $0xFFFFFFFF  }
0xad: {  	[dreg:$0x0] =	wrdreg $0x60  }
0xae: {  	[dreg:$0x2] =	wrdreg s24  }
0xaf: {  	[dreg:$0x3] =	wrdreg s2  }
0xb0: {  	[dreg:$0x4] =	wrdreg $0x41000  }
0xb1: {  	[dreg:$0x5] =	wrdreg $0x9  }
0xb2: {  	_ =	task.clear_ibuf [dreg:s7], $0x6FFFF;
	_ =	strace $0x9000004C  }
0xb3: {  	s29 =	simm.s32 $0x9;
	_ =	strace $0x8000004E  }
0xb4: {  	_ =	swait.ge [sflag:s29], $0x1  }
0xb5: {  	[sflag:s29] =	ssyncadd.s32 $0xFFFFFFFF  }
0xb6: {  	_ =	strace $0x9000004E  }
0xb7: {  	_ =	sfence  }
0xb8: {  	s30 =	sld [smem:$0x0];
	_ =	sdelay $0x2  }
0xb9: {  	s31 =	sshll.u32 s1, $0xD;
	s1 =	sshrl.u32 s1, $0x2  }
0xba: {  	s3 =	sand.u32 $0x4000, s31;
	s1 =	sadd.s32 s1, s30  }
0xbb: {  	s0 =	sor.u32 s3, s0;
	s1 =	sshll.u32 s1, $0x11  }
0xbc: {  	s0 =	sor.u32 s1, s0  }
0xbd: {  	s0 =	sadd.s32 $0x8F2B, s0  }
0xbe: {  	[sflag:s0] =	ssyncadd.remote.s32 $0x1  }
0xbf: {  	_ =	sfence.sel $0xFFFF  }
0xc0: {  	[dreg:$0x0] =	wrdreg $0xFFFFFFFF;
	(pc) =	sbr.abs _section_cstart, $3  }
0xc1: {  	[dreg:$0x1] =	wrdreg $0xFFFFFFFF  }
0xc2: {  	_ =	task.clear_ibuf [dreg:s7], $0x2FFFF;
	_ =	strace $0x9FFFFFFF  }
0xc3: {  	(tm) =	ssettm $0x7FFFFFFF  }
tec
execute0_lowered:
.L_overlay_start_1:
0x0: {  	(tag) =	ssettag $0x1  }
0x1: {  	s6 =	rddreg [dreg:$0x0]  }
0x2: {  	s11 =	rddreg [dreg:$0x1]  }
0x3: {  	s0 =	srdreg.scid;
	s2 =	rddreg [dreg:$0x2]  }
0x4: {  	s1 =	stileid.u32;
	s3 =	simm.s32 $0x0;
	s17 =	simm.s32 $0x1  }
0x5: {  	s10 =	sand.u32 $0x1, s0;
	s0 =	rddreg [dreg:$0x3];
	s5 =	smul.u32 $0x14000, s1  }
0x6: {  	[smem:$0x7FF] =	sst s3;
	s12 =	sadd.s32 $0x1E00, s6;
	s13 =	smul.u32 $0x50000, s1  }
0x7: {  	s15 =	sshll.u32 s1, $0x4;
	s29 =	sshll.u32 s1, $0x6;
	s4 =	smul.u32 $0x140000, s10  }
0x8: {  	_ =	strace $0x8000004D;
	s25 =	ssub.s32 $0x2, s10;
	s8 =	sshll.u32 s10, $0x4  }
0x9: {  	s30 =	sor.u32 $0x9C00, s15;
	s16 =	sshll.u32 s10, $0x8;
	s26 =	sshrl.u32 s25, $0x1  }
0xa: {  	s18 =	sor.u32 s1, s8;
	s28 =	sshrl.u32 s13, $0x2;
	s8 =	sadd.s32 s11, s30  }
0xb: {  	s31 =	sadd.s32 s16, s11;
	s5 =	sadd.s32 s5, s4;
	s4 =	sadd.s32 $0xBC00, s6  }
0xc: {  	s14 =	ssub.s32 s25, s26;
	s13 =	sadd.s32 s28, s2;
	p0 =	sgt.u32 s18, $0x3  }
0xd: {  	s18 =	simm.s32 $0x0;
	s7 =	sshrl.u32 s5, $0x3;
	s5 =	sadd.s32 $0x33C00, s6  }
0xe: {  	s10 =	smax.u32 s14, $0x1;
	s13 =	sshrl.u32 s13, $0x3;
	s14 =	simm.s32 $0x2  }
0xf: {  	s9 =	sadd.s32 s7, s6;
	s6 =	sor.u32 $0x1C02, s29;
	s7 =	sadd.s32 s12, s30  }
0x10: {  	s12 =	sadd.s32 s16, s12;
	s16 =	simm.s32 $0x100;
	s9 =	sadd.s32 $0x36400, s9  }
0x11: {  	s11 =	sadd.s32 s15, s12;
	s12 =	sadd.s32 s15, s31;
	s15 =	simm.s32 $0x80  }
.LBB2_1:
0x12: {  	[spmem:s13], [sflag:s6] =	dma.local [hbm:s5], $0x2800  }
0x13: {  	_ =	swait.ge [sflag:s14], $0x2800  }
0x14: {  	[sflag:s14] =	ssyncset.done $0x0  }
0x15: {  	[sflag:s14] =	ssyncadd.s32 $0xFFFFD800  }
0x16: {  	s19 =	sadd.s32 $0x0, s11;
	[bflag:$0x0] =	sbarrier.arrive $0xFFFF  }
0x17: {  	[tilespmem:s3], [sflag:$0x2] =	stream.linear.gather [hbm4b:s19+s3], $0x80, $0x38;
	[tilespmem:$0x18100] =	vst v63  }
0x18: {  	_ =	swait.ge [sflag:s14], $0x80  }
0x19: {  	[sflag:s14] =	ssyncset.done $0x0  }
0x1a: {  	s31 =	sadd.s32 $0x0, s12;
	[sflag:s14] =	ssyncadd.s32 $0xFFFFFF80  }
0x1b: {  	[tilespmem:s15], [sflag:$0x2] =	stream.linear.gather [hbm4b:s31+s3], $0x80, $0x38;
	[tilespmem:$0x18100] =	vst v63  }
0x1c: {  	_ =	swait.ge [sflag:s14], $0x80  }
0x1d: {  	[sflag:s14] =	ssyncset.done $0x0  }
0x1e: {  	[sflag:s14] =	ssyncadd.s32 $0xFFFFFF80  }
0x1f: {  	[tilespmem:s16], [sflag:$0x1] =	stream.indirect.gather [hbm4b:s4+s15], $0x80, s3, s15, $0xb8;
	[tilespmem:$0x18100] =	vst v63  }
0x20: {  	_ =	swait.ge [sflag:s17], $0x4000  }
0x21: {  	[sflag:s17] =	ssyncset.done $0x0  }
0x22: {  	[sflag:s17] =	ssyncadd.s32 $0xFFFFC000  }
0x23: {  	[spmem:s2] =	stream.indirect.scatter.add.f32 [tilespmem:s16], [sflag:$0x2], $0x80, s15, s15, $0xb8;
	[tilespmem:$0x18100] =	vst v63  }
0x24: {  	_ =	swait.ge [sflag:s14], $0x4000  }
0x25: {  	s20 =	simm.s32 $0x400;
	s19 =	simm.s32 $0x200;
	[sflag:s14] =	ssyncset.done $0x0  }
.LBB2_2:
0x26: {  	s21 =	sadd.s32 s19, s11  }
0x27: {  	[sflag:s14] =	ssyncadd.s32 $0xFFFFC000;
	s22 =	smov.u32 s20;
	s23 =	sadd.s32 $0x200, s20  }
0x28: {  	[tilespmem:s3], [sflag:$0x2] =	stream.linear.gather [hbm4b:s21+s3], $0x80, $0x38;
	[tilespmem:$0x18100] =	vst v63  }
0x29: {  	p1 =	sne.s32 s20, $0x9A00;
	_ =	swait.ge [sflag:s14], $0x80  }
0x2a: {  	[sflag:s14] =	ssyncset.done $0x0  }
0x2b: {  	s20 =	sadd.s32 s19, s12;
	s19 =	smov.u32 s22;
	[sflag:s14] =	ssyncadd.s32 $0xFFFFFF80  }
0x2c: {  	[tilespmem:s15], [sflag:$0x2] =	stream.linear.gather [hbm4b:s20+s3], $0x80, $0x38;
	[tilespmem:$0x18100] =	vst v63  }
0x2d: {  	_ =	swait.ge [sflag:s14], $0x80  }
0x2e: {  	[sflag:s14] =	ssyncset.done $0x0  }
0x2f: {  	[sflag:s14] =	ssyncadd.s32 $0xFFFFFF80  }
0x30: {  	[tilespmem:s16], [sflag:$0x1] =	stream.indirect.gather [hbm4b:s4+s15], $0x80, s3, s15, $0xb8;
	[tilespmem:$0x18100] =	vst v63  }
0x31: {  	_ =	swait.ge [sflag:s17], $0x4000  }
.Ltmp0:
0x32: {  	[sflag:s17] =	ssyncset.done $0x0;
	(pc) =	sbr.rel @p1 .LBB2_2-.Ltmp0, $4  }
0x33: {  	[sflag:s17] =	ssyncadd.s32 $0xFFFFC000  }
0x34: {  	[spmem:s2] =	stream.indirect.scatter.add.f32 [tilespmem:s16], [sflag:$0x2], $0x80, s15, s15, $0xb8;
	[tilespmem:$0x18100] =	vst v63  }
0x35: {  	_ =	swait.ge [sflag:s14], $0x4000  }
0x36: {  	s20 =	smov.u32 s23;
	[sflag:s14] =	ssyncset.done $0x0  }
0x37: {  	s20 =	sadd.s32 s19, s11;
	[sflag:s14] =	ssyncadd.s32 $0xFFFFC000  }
0x38: {  	[tilespmem:s3], [sflag:$0x2] =	stream.linear.gather [hbm4b:s20+s3], $0x80, $0x38;
	[tilespmem:$0x18100] =	vst v63  }
0x39: {  	_ =	swait.ge [sflag:s14], $0x80  }
0x3a: {  	[sflag:s14] =	ssyncset.done $0x0  }
0x3b: {  	s31 =	sadd.s32 s19, s12;
	[sflag:s14] =	ssyncadd.s32 $0xFFFFFF80  }
0x3c: {  	[tilespmem:s15], [sflag:$0x2] =	stream.linear.gather [hbm4b:s31+s3], $0x80, $0x38;
	[tilespmem:$0x18100] =	vst v63  }
0x3d: {  	_ =	swait.ge [sflag:s14], $0x80  }
0x3e: {  	[sflag:s14] =	ssyncset.done $0x0  }
0x3f: {  	[sflag:s14] =	ssyncadd.s32 $0xFFFFFF80  }
0x40: {  	[tilespmem:s16], [sflag:$0x1] =	stream.indirect.gather [hbm4b:s4+s15], $0x80, s3, s15, $0xb8;
	[tilespmem:$0x18100] =	vst v63  }
0x41: {  	_ =	swait.ge [sflag:s17], $0x4000  }
0x42: {  	[sflag:s17] =	ssyncset.done $0x0  }
0x43: {  	[sflag:s17] =	ssyncadd.s32 $0xFFFFC000  }
0x44: {  	[spmem:s2] =	stream.indirect.scatter.add.f32 [tilespmem:s16], [sflag:$0x2], $0x80, s15, s15, $0xb8;
	[tilespmem:$0x18100] =	vst v63  }
0x45: {  	_ =	swait.ge [sflag:s14], $0x4000  }
0x46: {  	[sflag:s14] =	ssyncset.done $0x0  }
0x47: {  	s19 =	simm.s32 @!p0 $0x0;
	s20 =	simm.s32 @!p0 $0x2;
	[sflag:s14] =	ssyncadd.s32 $0xFFFFC000  }
0x48: {  	[tilespmem:s19], [sflag:$0x2] =	stream.linear.gather @!p0 [hbm4b:s7+s19], $0x80, $0x38;
	[tilespmem:$0x18100] =	vst v63  }
0x49: {  	_ =	swait.ge @!p0 [sflag:s20], $0x80  }
0x4a: {  	[sflag:s20] =	ssyncset.done @!p0 $0x0  }
0x4b: {  	s21 =	simm.s32 @!p0 $0x80;
	[sflag:s20] =	ssyncadd.s32 @!p0 $0xFFFFFF80  }
0x4c: {  	[tilespmem:s21], [sflag:$0x2] =	stream.linear.gather @!p0 [hbm4b:s8+s19], $0x80, $0x38;
	[tilespmem:$0x18100] =	vst v63  }
0x4d: {  	_ =	swait.ge @!p0 [sflag:s20], $0x80  }
0x4e: {  	[sflag:s20] =	ssyncset.done @!p0 $0x0  }
0x4f: {  	s22 =	simm.s32 @!p0 $0x100;
	[sflag:s20] =	ssyncadd.s32 @!p0 $0xFFFFFF80  }
0x50: {  	[tilespmem:s22], [sflag:$0x1] =	stream.indirect.gather @!p0 [hbm4b:s4+s21], $0x80, s19, s21, $0xb8;
	[tilespmem:$0x18100] =	vst v63  }
0x51: {  	s19 =	simm.s32 @!p0 $0x1  }
0x52: {  	_ =	swait.ge @!p0 [sflag:s19], $0x4000  }
0x53: {  	[sflag:s19] =	ssyncset.done @!p0 $0x0  }
0x54: {  	[sflag:s19] =	ssyncadd.s32 @!p0 $0xFFFFC000  }
0x55: {  	[spmem:s2] =	stream.indirect.scatter.add.f32 @!p0 [tilespmem:s22], [sflag:$0x2], $0x80, s21, s21, $0xb8;
	[tilespmem:$0x18100] =	vst v63  }
0x56: {  	_ =	swait.ge @!p0 [sflag:s20], $0x4000  }
0x57: {  	s18 =	sadd.s32 $0x1, s18;
	[sflag:s20] =	ssyncset.done @!p0 $0x0  }
0x58: {  	p1 =	sne.s32 s18, s10;
	[sflag:s20] =	ssyncadd.s32 @!p0 $0xFFFFC000  }
.Ltmp1:
0x59: {  	[bflag:$0x0] =	sbarrier.arrive $0xFFFF;
	(pc) =	sbr.rel @p1 .LBB2_1-.Ltmp1, $4  }
0x5a: {  	[hbm:s9], [sflag:s6] =	dma.local [spmem:s13], $0x2800  }
0x5b: {  	_ =	swait.ge [sflag:s14], $0x2800  }
0x5c: {  	[sflag:s14] =	ssyncset.done $0x0  }
0x5d: {  	[sflag:s14] =	ssyncadd.s32 $0xFFFFD800  }
0x5e: {  	_ =	sfence.sel $0x180000  }
0x5f: {  	[bflag:$0x0] =	sbarrier.arrive $0xFFFF  }
0x60: {  	p0 =	sne.s32 s1, $0x0;
	_ =	strace $0x9000004D  }
0x61: {  	s0 =	sadd.s32 @!p0 $0x100000, s0;
	[bflag:$0x2] =	sbarrier.arrive $0xFFFF  }
0x62: {  	[sflag:s0] =	ssyncadd.tile.s32 @!p0 $0x1;
	_ =	shalt  }
.Lfunc_end2:
_tile_overlayer_lowered:
.L_overlay_start_2:
0x63: {  	(tag) =	ssettag $0x2  }
0x64: {  	s0 =	rddreg [dreg:$0x0];
	s2 =	stileid.u32  }
0x65: {  	s1 =	rddreg [dreg:$0x1];
	p0 =	sne.s32 s2, $0x0  }
0x66: {  	s3 =	rddreg [dreg:$0x2];
	[bflag:$0x3] =	sbarrier.arrive $0xFFFF;
	s2 =	simm.s32 @!p0 $0x1C02  }
0x67: {  	[timem:s3], [sflag:s2] =	dma.local @!p0 [hbm:s0], s1  }
0x68: {  	s0 =	simm.s32 @!p0 $0x2  }
0x69: {  	_ =	swait.ge @!p0 [sflag:s0], s1  }
0x6a: {  	s1 =	ssub.s32 @!p0 $0x0, s1;
	[sflag:s0] =	ssyncset.done @!p0 $0x0  }
0x6b: {  	[sflag:s0] =	ssyncadd.s32 @!p0 s1  }
0x6c: {  	[bflag:$0x3] =	sbarrier.arrive $0xFFFF  }
0x6d: {  	_ =	shalt  }

// kernel: kernel.8.cloned.1.call-start
scs
__scs_entry_jumppad:
0x0: {  	(pc) =	sbr.rel $0x88, $3  }
0x1: {  	(tag) =	ssettag $0x0;
	lr =	simm.s32 $0x1  }
0x2: {  	[smem:$0x3F9B] =	sst lr;
	_ =	strace $0xD0000000  }
0x3: {  	_ = 	snop  }
0x4: {  	_ = 	snop  }
0x5: {  	_ = 	snop  }
0x6: {  	_ = 	snop  }
0x7: {  	_ = 	snop  }
__scs_overlays_trampoline_lowered:
0x8: {  	[smem:$0x3FAA] =	sst s0  }
0x9: {  	[smem:$0x3FAB] =	sst s1  }
0xa: {  	[smem:$0x3FAC] =	sst s2  }
0xb: {  	[smem:$0x3FAD] =	sst s3  }
0xc: {  	[smem:$0x3FAE] =	sst s4  }
0xd: {  	[smem:$0x3FAF] =	sst s5  }
0xe: {  	[smem:$0x3FB0] =	sst s6  }
0xf: {  	[smem:$0x3FB1] =	sst s7  }
0x10: {  	[smem:$0x3FB2] =	sst s8  }
0x11: {  	[smem:$0x3FB3] =	sst s9;
	s0 =	simm.s32 @!p0 $0x0  }
0x12: {  	s1 =	sld [smem:$0x3F99];
	s0 =	simm.s32 @p0 $0x1  }
0x13: {  	[smem:$0x3FB4] =	sst s0;
	s0 =	simm.s32 @!p1 $0x0  }
0x14: {  	s2 =	sld [smem:$0x3F98];
	s0 =	simm.s32 @p1 $0x1  }
0x15: {  	[smem:$0x3FB5] =	sst s0;
	s0 =	simm.s32 @!p2 $0x0  }
0x16: {  	s3 =	sld [smem:$0x3FDB];
	s0 =	simm.s32 @p2 $0x1  }
0x17: {  	s4 =	simm.s32 $0x1BF5;
	[smem:$0x3FB7] =	sst s0  }
0x18: {  	s0 =	sld [smem:$0x3F9A];
	_ =	swait.ge [sflag:s4], $0x0  }
0x19: {  	s7 =	sld [smem:$0x3F9B]  }
0x1a: {  	s8 =	sadd.s32 $0xFFFFE003, lr  }
0x1b: {  	s9 =	sadd.s32 $0xFFFFFEF7, lr;
	s5 =	simm.s32 $0xFFFFFFFF;
	p2 =	slt.u32 s8, $0xFFFFF086  }
0x1c: {  	p1 =	slt.u32 s9, $0xF7A;
	s5 =	simm.s32 @!p2 $0x0  }
0x1d: {  	s5 =	simm.s32 @p1 $0x1;
	p0 =	seq.s32 s7, s2  }
0x1e: {  	s7 =	smul.u32 @!p0 $0xF7A, s2;
	p2 =	seq.s32 @!p0 s5, $0x0  }
0x1f: {  	s9 =	smul.u32 $0xF7A, s1;
	s8 =	simm.s32 @!p0 $0x1BF5;
	p2 =	por !p2, p0  }
0x20: {  	[sflag:s8] =	ssyncset.s32 @!p0 $0xFFFFF086;
	s6 =	sadd.s32 @!p0 s3, s7;
	s7 =	simm.s32 @!p0 $0x108  }
0x21: {  	s3 =	sadd.s32 s3, s9;
	s6 =	sadd.s32 @!p0 $0x88, s6;
	s7 =	simm.s32 @p2 $0x1082  }
0x22: {  	[simem:s7], [sflag:s8] =	dma.local @!p0 [hbm:s6], $0xF7A  }
0x23: {  	s9 =	sor.u32 $0xD0000000, s2;
	s6 =	simm.s32 $0x108;
	_ =	swait.ge @!p0 [sflag:s8], $0x0  }
0x24: {  	s3 =	sadd.s32 $0x88, s3;
	s6 =	simm.s32 @!p1 $0x1082;
	[sflag:s4] =	ssyncset.s32 $0xFFFFF086  }
0x25: {  	[simem:s6], [sflag:s4] =	dma.local [hbm:s3], $0xF7A  }
0x26: {  	[smem:$0x3F9B] =	sst s1;
	(tag) =	ssettag s2;
	_ =	strace s9  }
0x27: {  	s1 =	sld [smem:$0x3FAB]  }
0x28: {  	s2 =	sld [smem:$0x3FAC]  }
0x29: {  	s4 =	sld [smem:$0x3FAE]  }
0x2a: {  	p0 =	seq.s32 s5, $0x0;
	s5 =	sld [smem:$0x3FAF]  }
0x2b: {  	s6 =	sld [smem:$0x3FB0]  }
0x2c: {  	s7 =	sld [smem:$0x3FB1]  }
0x2d: {  	s3 =	simm.s32 $0x108;
	s8 =	sld [smem:$0x3FB2]  }
0x2e: {  	s3 =	simm.s32 @!p0 $0x1082;
	s9 =	sld [smem:$0x3FB3]  }
0x2f: {  	lr =	sadd.s32 s0, s3;
	s0 =	sld [smem:$0x3FAA]  }
0x30: {  	s3 =	sld [smem:$0x3FAD]  }
0x31: {  	[smem:$0x3FB6] =	sst s10  }
0x32: {  	s10 =	sld [smem:$0x3FB4];
	_ =	sdelay $0x3  }
0x33: {  	p0 =	seq.s32 s10, $0x1;
	s10 =	sld [smem:$0x3FB6];
	_ =	sdelay $0x3  }
0x34: {  	[smem:$0x3FB6] =	sst s10  }
0x35: {  	s10 =	sld [smem:$0x3FB5];
	_ =	sdelay $0x3  }
0x36: {  	p1 =	seq.s32 s10, $0x1;
	s10 =	sld [smem:$0x3FB6];
	_ =	sdelay $0x3  }
0x37: {  	[smem:$0x3FB6] =	sst s10  }
0x38: {  	s10 =	sld [smem:$0x3FB7]  }
0x39: {  	_ = 	snop;
	(pc) =	sbr.ind lr, $3  }
0x3a: {  	_ = 	snop  }
0x3b: {  	_ = 	snop  }
0x3c: {  	p2 =	seq.s32 s10, $0x1;
	s10 =	sld [smem:$0x3FB6]  }
0x3d: {  	_ =	shalt  }
0x3e: {  	_ =	shalt  }
0x3f: {  	_ =	shalt  }
0x40: {  	_ =	shalt  }
0x41: {  	_ =	shalt  }
0x42: {  	_ =	shalt  }
0x43: {  	_ =	shalt  }
0x44: {  	_ =	shalt  }
0x45: {  	_ =	shalt  }
0x46: {  	_ =	shalt  }
0x47: {  	_ =	shalt  }
0x48: {  	_ =	shalt  }
0x49: {  	_ =	shalt  }
0x4a: {  	_ =	shalt  }
0x4b: {  	_ =	shalt  }
0x4c: {  	_ =	shalt  }
0x4d: {  	_ =	shalt  }
0x4e: {  	_ =	shalt  }
0x4f: {  	_ =	shalt  }
0x50: {  	_ =	shalt  }
0x51: {  	_ =	shalt  }
0x52: {  	_ =	shalt  }
0x53: {  	_ =	shalt  }
0x54: {  	_ =	shalt  }
0x55: {  	_ =	shalt  }
0x56: {  	_ =	shalt  }
0x57: {  	_ =	shalt  }
0x58: {  	_ =	shalt  }
0x59: {  	_ =	shalt  }
0x5a: {  	_ =	shalt  }
0x5b: {  	_ =	shalt  }
0x5c: {  	_ =	shalt  }
0x5d: {  	_ =	shalt  }
0x5e: {  	_ =	shalt  }
0x5f: {  	_ =	shalt  }
0x60: {  	_ =	shalt  }
0x61: {  	_ =	shalt  }
0x62: {  	_ =	shalt  }
0x63: {  	_ =	shalt  }
0x64: {  	_ =	shalt  }
0x65: {  	_ =	shalt  }
0x66: {  	_ =	shalt  }
0x67: {  	_ =	shalt  }
0x68: {  	_ =	shalt  }
0x69: {  	_ =	shalt  }
0x6a: {  	_ =	shalt  }
0x6b: {  	_ =	shalt  }
0x6c: {  	_ =	shalt  }
0x6d: {  	_ =	shalt  }
0x6e: {  	_ =	shalt  }
0x6f: {  	_ =	shalt  }
0x70: {  	_ =	shalt  }
0x71: {  	_ =	shalt  }
0x72: {  	_ =	shalt  }
0x73: {  	_ =	shalt  }
0x74: {  	_ =	shalt  }
0x75: {  	_ =	shalt  }
0x76: {  	_ =	shalt  }
0x77: {  	_ =	shalt  }
0x78: {  	_ =	shalt  }
0x79: {  	_ =	shalt  }
0x7a: {  	_ =	shalt  }
0x7b: {  	_ =	shalt  }
0x7c: {  	_ =	shalt  }
0x7d: {  	_ =	shalt  }
0x7e: {  	_ =	shalt  }
0x7f: {  	_ =	shalt  }
0x80: {  	_ =	shalt  }
0x81: {  	_ =	shalt  }
0x82: {  	_ =	shalt  }
0x83: {  	_ =	shalt  }
0x84: {  	_ =	shalt  }
0x85: {  	_ =	shalt  }
0x86: {  	_ =	shalt  }
0x87: {  	_ =	shalt  }
.Lfunc_end0:
.L_simem_size_0:
called_computation_lowered:
.L_overlay_start_0:
0x88: {  	s2 =	sld [smem:$0x3FD9]  }
0x89: {  	s3 =	sld [smem:$0x3FFE];
	_ =	sdelay $0x1  }
0x8a: {  	s1 =	srdreg.scid  }
0x8b: {  	s0 =	sand.u32 $0x1, s1  }
0x8c: {  	s17 =	sshll.u32 s0, $0xA;
	s2 =	sadd.s32 s3, s2  }
0x8d: {  	s2 =	sadd.s32 s2, s17  }
0x8e: {  	[smem:$0x3FC2] =	sst s2  }
0x8f: {  	_ = 	snop  }
0x90: {  	s2 =	sld [smem:$0x3FD0];
	(tm) =	ssettm $0x1  }
0x91: {  	s18 =	sld [smem:$0x3FFB];
	_ =	sdelay $0x3  }
0x92: {  	_ =	strace s18  }
0x93: {  	s3 =	sld [smem:$0x3FFC];
	_ =	sdelay $0x3  }
0x94: {  	_ =	strace s3  }
0x95: {  	s3 =	sld [smem:$0x3FFD];
	_ =	sdelay $0x3  }
0x96: {  	_ =	strace s3  }
0x97: {  	_ =	strace $0x8FFFFFFF  }
0x98: {  	s19 =	sld [smem:$0x3FDB];
	_ =	sdelay $0x1  }
0x99: {  	s4 =	simm.s32 $_scs_section_size  }
0x9a: {  	s5 =	simm.s32 $_size__tile_overlayer_lowered;
	s6 =	simm.s32 $_tile_overlayer_lowered  }
0x9b: {  	s22 =	simm.s32 $0x1BFF;
	s21 =	sshll.u32 s6, $0x1;
	s3 =	sadd.s32 s4, s19  }
0x9c: {  	s7 =	simm.s32 $0x0;
	s20 =	sshll.u32 s5, $0x1;
	s5 =	sadd.s32 s21, s3  }
0x9d: {  	[timem:s7], [sflag:s22] =	dma.local [hbm:s5], s20  }
0x9e: {  	_ =	swait.ge [sflag:s22], s20  }
0x9f: {  	s4 =	ssub.s32 $0x0, s20;
	[sflag:s22] =	ssyncset.done $0x0  }
0xa0: {  	[sflag:s22] =	ssyncadd.s32 s4;
	_ =	sdelay $0x1  }
0xa1: {  	s23 =	simm.s32 $0x1B8B  }
0xa2: {  	_ =	swait.ge [sflag:s23], $0x1  }
0xa3: {  	[sflag:s23] =	ssyncset.done $0x0  }
0xa4: {  	s25 =	simm.s32 $0x1B8E;
	s24 =	sld [smem:$0x3FFE];
	[sflag:s23] =	ssyncadd.s32 $0xFFFFFFFF  }
0xa5: {  	s26 =	simm.s32 $execute0_lowered;
	[smem:$0x3FD2] =	sst s25  }
0xa6: {  	s5 =	sshll.u32 s26, $0x1;
	_ =	strace $0x80000046;
	[dreg:$0x1] =	wrdreg $0xFFFFFFFF  }
0xa7: {  	s28 =	simm.s32 $_size_execute0_lowered;
	s3 =	sadd.s32 s3, s5;
	[dreg:$0x0] =	wrdreg $0x0  }
0xa8: {  	s5 =	sshll.u32 s28, $0x1;
	[dreg:$0x2] =	wrdreg s3  }
0xa9: {  	[dreg:$0x3] =	wrdreg s5  }
0xaa: {  	[dreg:$0x4] =	wrdreg $0xC0  }
0xab: {  	_ =	task [dreg:s7], $0x5FFFF  }
0xac: {  	[dreg:$0x1] =	wrdreg $0xFFFFFFFF  }
0xad: {  	[dreg:$0x0] =	wrdreg $0x60  }
0xae: {  	[dreg:$0x2] =	wrdreg s24  }
0xaf: {  	[dreg:$0x3] =	wrdreg s2  }
0xb0: {  	[dreg:$0x4] =	wrdreg $0x1800  }
0xb1: {  	[dreg:$0x5] =	wrdreg $0x4000  }
0xb2: {  	[dreg:$0x6] =	wrdreg $0x9  }
0xb3: {  	_ =	task.clear_ibuf [dreg:s7], $0x7FFFF;
	_ =	strace $0x90000046  }
0xb4: {  	s29 =	simm.s32 $0x9;
	_ =	strace $0x80000048  }
0xb5: {  	_ =	swait.ge [sflag:s29], $0x1  }
0xb6: {  	[sflag:s29] =	ssyncadd.s32 $0xFFFFFFFF  }
0xb7: {  	_ =	strace $0x90000048  }
0xb8: {  	_ =	sfence  }
0xb9: {  	s30 =	sld [smem:$0x0];
	_ =	sdelay $0x2  }
0xba: {  	s31 =	sshll.u32 s1, $0xD;
	s1 =	sshrl.u32 s1, $0x2  }
0xbb: {  	s3 =	sand.u32 $0x4000, s31;
	s1 =	sadd.s32 s1, s30  }
0xbc: {  	s0 =	sor.u32 s3, s0;
	s1 =	sshll.u32 s1, $0x11  }
0xbd: {  	s0 =	sor.u32 s1, s0  }
0xbe: {  	s0 =	sadd.s32 $0x8F2B, s0  }
0xbf: {  	[sflag:s0] =	ssyncadd.remote.s32 $0x1  }
0xc0: {  	_ =	sfence.sel $0xFFFF  }
0xc1: {  	[dreg:$0x0] =	wrdreg $0xFFFFFFFF;
	(pc) =	sbr.abs _section_cstart, $3  }
0xc2: {  	[dreg:$0x1] =	wrdreg $0xFFFFFFFF  }
0xc3: {  	_ =	task.clear_ibuf [dreg:s7], $0x2FFFF;
	_ =	strace $0x9FFFFFFF  }
0xc4: {  	(tm) =	ssettm $0x7FFFFFFF  }
0xc5: {  	_ =	shalt  }
tec
execute0_lowered:
.L_overlay_start_1:
0x0: {  	(tag) =	ssettag $0x1  }
0x1: {  	s7 =	rddreg [dreg:$0x0]  }
0x2: {  	s12 =	rddreg [dreg:$0x1]  }
0x3: {  	s2 =	rddreg [dreg:$0x2]  }
0x4: {  	s0 =	srdreg.scid;
	s3 =	rddreg [dreg:$0x3]  }
0x5: {  	s1 =	stileid.u32;
	s4 =	simm.s32 $0x0;
	s21 =	simm.s32 $0x10  }
0x6: {  	s22 =	simm.s32 $0x0;
	s11 =	sand.u32 $0x1, s0;
	s0 =	rddreg [dreg:$0x4]  }
0x7: {  	s6 =	smul.u32 $0x500, s1;
	[smem:$0x7FF] =	sst s4;
	s13 =	sadd.s32 $0x1E00, s7  }
0x8: {  	s10 =	smul.u32 $0x280, s1;
	s16 =	sshll.u32 s1, $0x4;
	s29 =	sshll.u32 s1, $0x6  }
0x9: {  	s5 =	smul.u32 $0x5000, s11;
	_ =	strace $0x80000047;
	s26 =	ssub.s32 $0x2, s11  }
0xa: {  	s9 =	sshll.u32 s11, $0x4;
	s30 =	sor.u32 $0x9C00, s16;
	s19 =	sshll.u32 s11, $0x8  }
0xb: {  	s28 =	sshrl.u32 s26, $0x1;
	s20 =	sor.u32 s1, s9;
	s17 =	sadd.s32 s10, s2  }
0xc: {  	s18 =	sadd.s32 s10, s3;
	s9 =	sadd.s32 s12, s30;
	s31 =	sadd.s32 s19, s12  }
0xd: {  	s6 =	sadd.s32 s6, s5;
	s5 =	sadd.s32 $0xBC00, s7;
	s15 =	ssub.s32 s26, s28  }
0xe: {  	p0 =	sgt.u32 s20, $0x3;
	s20 =	simm.s32 $0x20;
	s8 =	sshrl.u32 s6, $0x3  }
0xf: {  	s6 =	sadd.s32 $0xBE00, s7;
	s12 =	smax.u32 s15, $0x1;
	s15 =	sshrl.u32 s17, $0x3  }
0x10: {  	s17 =	sshrl.u32 s18, $0x3;
	s18 =	simm.s32 $0x100;
	s14 =	sadd.s32 s8, s7  }
0x11: {  	s7 =	sor.u32 $0x1C01, s29;
	s8 =	sadd.s32 s13, s30;
	s13 =	sadd.s32 s19, s13  }
0x12: {  	s19 =	simm.s32 $0x80;
	s10 =	sadd.s32 $0xC000, s14;
	s11 =	sadd.s32 $0xC010, s14  }
0x13: {  	s13 =	sadd.s32 s16, s13;
	s14 =	sadd.s32 s16, s31;
	s16 =	simm.s32 $0x1  }
.LBB2_1:
0x14: {  	[spmem:s15], [sflag:s7] =	dma.local [hbm:s5], $0x50  }
0x15: {  	_ =	swait.ge [sflag:s16], $0x50  }
0x16: {  	[sflag:s16] =	ssyncset.done $0x0  }
0x17: {  	[sflag:s16] =	ssyncadd.s32 $0xFFFFFFB0  }
0x18: {  	[spmem:s17], [sflag:s7] =	dma.local [hbm:s5], $0x50  }
0x19: {  	_ =	swait.ge [sflag:s16], $0x50  }
0x1a: {  	[sflag:s16] =	ssyncset.done $0x0  }
0x1b: {  	[sflag:s16] =	ssyncadd.s32 $0xFFFFFFB0  }
0x1c: {  	[tilespmem:s18], [sflag:$0x1] =	stream.linear.gather [hbm4b:s6+s4], $0x80, $0x38;
	[tilespmem:$0x680] =	vst v63  }
0x1d: {  	_ =	swait.ge [sflag:s16], $0x80  }
0x1e: {  	[sflag:s16] =	ssyncset.done $0x0  }
0x1f: {  	[sflag:s16] =	ssyncadd.s32 $0xFFFFFF80  }
0x20: {  	s23 =	sadd.s32 $0x0, s13;
	[bflag:$0x0] =	sbarrier.arrive $0xFFFF  }
0x21: {  	[tilespmem:s4], [sflag:$0x1] =	stream.linear.gather [hbm4b:s23+s4], $0x80, $0x38;
	[tilespmem:$0x680] =	vst v63  }
0x22: {  	_ =	swait.ge [sflag:s16], $0x80  }
0x23: {  	[sflag:s16] =	ssyncset.done $0x0  }
0x24: {  	s31 =	sadd.s32 $0x0, s14;
	[sflag:s16] =	ssyncadd.s32 $0xFFFFFF80  }
0x25: {  	[tilespmem:s19], [sflag:$0x1] =	stream.linear.gather [hbm4b:s31+s4], $0x80, $0x38;
	[tilespmem:$0x680] =	vst v63  }
0x26: {  	_ =	swait.ge [sflag:s16], $0x80  }
0x27: {  	[sflag:s16] =	ssyncset.done $0x0  }
0x28: {  	[sflag:s16] =	ssyncadd.s32 $0xFFFFFF80  }
0x29: {  	[spmem:s2] =	stream.indirect.scatter.add.f32 [tilespmem:s18], [sflag:$0x1], $0x1, s4, s19, $0xb8;
	[tilespmem:$0x680] =	vst v63  }
0x2a: {  	_ =	swait.ge [sflag:s16], $0x80  }
0x2b: {  	[sflag:s16] =	ssyncset.done $0x0  }
0x2c: {  	[sflag:s16] =	ssyncadd.s32 $0xFFFFFF80  }
0x2d: {  	[spmem:s3] =	stream.indirect.scatter.add.f32 [tilespmem:s18], [sflag:$0x1], $0x1, s19, s19, $0xb8;
	[tilespmem:$0x680] =	vst v63  }
0x2e: {  	_ =	swait.ge [sflag:s16], $0x80  }
0x2f: {  	s24 =	simm.s32 $0x400;
	s23 =	simm.s32 $0x200;
	[sflag:s16] =	ssyncset.done $0x0  }
.LBB2_2:
0x30: {  	s25 =	sadd.s32 s23, s13  }
0x31: {  	[sflag:s16] =	ssyncadd.s32 $0xFFFFFF80;
	s26 =	smov.u32 s24;
	s28 =	sadd.s32 $0x200, s24  }
0x32: {  	[tilespmem:s4], [sflag:$0x1] =	stream.linear.gather [hbm4b:s25+s4], $0x80, $0x38;
	[tilespmem:$0x680] =	vst v63  }
0x33: {  	p1 =	sne.s32 s24, $0x9A00;
	_ =	swait.ge [sflag:s16], $0x80  }
0x34: {  	[sflag:s16] =	ssyncset.done $0x0  }
0x35: {  	s24 =	sadd.s32 s23, s14;
	s23 =	smov.u32 s26;
	[sflag:s16] =	ssyncadd.s32 $0xFFFFFF80  }
0x36: {  	[tilespmem:s19], [sflag:$0x1] =	stream.linear.gather [hbm4b:s24+s4], $0x80, $0x38;
	[tilespmem:$0x680] =	vst v63  }
0x37: {  	_ =	swait.ge [sflag:s16], $0x80  }
0x38: {  	[sflag:s16] =	ssyncset.done $0x0  }
0x39: {  	[sflag:s16] =	ssyncadd.s32 $0xFFFFFF80  }
0x3a: {  	[spmem:s2] =	stream.indirect.scatter.add.f32 [tilespmem:s18], [sflag:$0x1], $0x1, s4, s19, $0xb8;
	[tilespmem:$0x680] =	vst v63  }
0x3b: {  	_ =	swait.ge [sflag:s16], $0x80  }
.Ltmp0:
0x3c: {  	[sflag:s16] =	ssyncset.done $0x0;
	(pc) =	sbr.rel @p1 .LBB2_2-.Ltmp0, $4  }
0x3d: {  	[sflag:s16] =	ssyncadd.s32 $0xFFFFFF80  }
0x3e: {  	[spmem:s3] =	stream.indirect.scatter.add.f32 [tilespmem:s18], [sflag:$0x1], $0x1, s19, s19, $0xb8;
	[tilespmem:$0x680] =	vst v63  }
0x3f: {  	_ =	swait.ge [sflag:s16], $0x80  }
0x40: {  	s24 =	smov.u32 s28;
	[sflag:s16] =	ssyncset.done $0x0  }
0x41: {  	s24 =	sadd.s32 s23, s13;
	[sflag:s16] =	ssyncadd.s32 $0xFFFFFF80  }
0x42: {  	[tilespmem:s4], [sflag:$0x1] =	stream.linear.gather [hbm4b:s24+s4], $0x80, $0x38;
	[tilespmem:$0x680] =	vst v63  }
0x43: {  	_ =	swait.ge [sflag:s16], $0x80  }
0x44: {  	[sflag:s16] =	ssyncset.done $0x0  }
0x45: {  	s31 =	sadd.s32 s23, s14;
	[sflag:s16] =	ssyncadd.s32 $0xFFFFFF80  }
0x46: {  	[tilespmem:s19], [sflag:$0x1] =	stream.linear.gather [hbm4b:s31+s4], $0x80, $0x38;
	[tilespmem:$0x680] =	vst v63  }
0x47: {  	_ =	swait.ge [sflag:s16], $0x80  }
0x48: {  	[sflag:s16] =	ssyncset.done $0x0  }
0x49: {  	[sflag:s16] =	ssyncadd.s32 $0xFFFFFF80  }
0x4a: {  	[spmem:s2] =	stream.indirect.scatter.add.f32 [tilespmem:s18], [sflag:$0x1], $0x1, s4, s19, $0xb8;
	[tilespmem:$0x680] =	vst v63  }
0x4b: {  	_ =	swait.ge [sflag:s16], $0x80  }
0x4c: {  	[sflag:s16] =	ssyncset.done $0x0  }
0x4d: {  	[sflag:s16] =	ssyncadd.s32 $0xFFFFFF80  }
0x4e: {  	[spmem:s3] =	stream.indirect.scatter.add.f32 [tilespmem:s18], [sflag:$0x1], $0x1, s19, s19, $0xb8;
	[tilespmem:$0x680] =	vst v63  }
0x4f: {  	_ =	swait.ge [sflag:s16], $0x80  }
0x50: {  	[sflag:s16] =	ssyncset.done $0x0  }
0x51: {  	s23 =	simm.s32 @!p0 $0x0;
	s24 =	simm.s32 @!p0 $0x1;
	[sflag:s16] =	ssyncadd.s32 $0xFFFFFF80  }
0x52: {  	[tilespmem:s23], [sflag:$0x1] =	stream.linear.gather @!p0 [hbm4b:s8+s23], $0x80, $0x38;
	[tilespmem:$0x680] =	vst v63  }
0x53: {  	_ =	swait.ge @!p0 [sflag:s24], $0x80  }
0x54: {  	[sflag:s24] =	ssyncset.done @!p0 $0x0  }
0x55: {  	s25 =	simm.s32 @!p0 $0x80;
	[sflag:s24] =	ssyncadd.s32 @!p0 $0xFFFFFF80  }
0x56: {  	[tilespmem:s25], [sflag:$0x1] =	stream.linear.gather @!p0 [hbm4b:s9+s23], $0x80, $0x38;
	[tilespmem:$0x680] =	vst v63  }
0x57: {  	_ =	swait.ge @!p0 [sflag:s24], $0x80  }
0x58: {  	[sflag:s24] =	ssyncset.done @!p0 $0x0  }
0x59: {  	s26 =	simm.s32 @!p0 $0x100;
	[sflag:s24] =	ssyncadd.s32 @!p0 $0xFFFFFF80  }
0x5a: {  	[spmem:s2] =	stream.indirect.scatter.add.f32 @!p0 [tilespmem:s26], [sflag:$0x1], $0x1, s23, s25, $0xb8;
	[tilespmem:$0x680] =	vst v63  }
0x5b: {  	_ =	swait.ge @!p0 [sflag:s24], $0x80  }
0x5c: {  	[sflag:s24] =	ssyncset.done @!p0 $0x0  }
0x5d: {  	[sflag:s24] =	ssyncadd.s32 @!p0 $0xFFFFFF80  }
0x5e: {  	[spmem:s3] =	stream.indirect.scatter.add.f32 @!p0 [tilespmem:s26], [sflag:$0x1], $0x1, s25, s25, $0xb8;
	[tilespmem:$0x680] =	vst v63  }
0x5f: {  	_ =	swait.ge @!p0 [sflag:s24], $0x80  }
0x60: {  	[sflag:s24] =	ssyncset.done @!p0 $0x0  }
0x61: {  	[sflag:s24] =	ssyncadd.s32 @!p0 $0xFFFFFF80  }
0x62: {  	[bflag:$0x0] =	sbarrier.arrive $0xFFFF  }
0x63: {  	[hbm:s10@s20], [sflag:s7] =	dma.strided [spmem:s15@s21], $0x50, s16, $0x10   }
0x64: {  	s22 =	sadd.s32 $0x1, s22;
	_ =	swait.ge [sflag:s16], $0x50  }
0x65: {  	p1 =	sne.s32 s22, s12;
	[sflag:s16] =	ssyncset.done $0x0  }
.Ltmp1:
0x66: {  	[sflag:s16] =	ssyncadd.s32 $0xFFFFFFB0;
	(pc) =	sbr.rel @p1 .LBB2_1-.Ltmp1, $4  }
0x67: {  	[hbm:s11@s20], [sflag:s7] =	dma.strided [spmem:s17@s21], $0x50, s16, $0x10   }
0x68: {  	_ =	swait.ge [sflag:s16], $0x50  }
0x69: {  	[sflag:s16] =	ssyncset.done $0x0  }
0x6a: {  	[sflag:s16] =	ssyncadd.s32 $0xFFFFFFB0  }
0x6b: {  	_ =	sfence.sel $0x180000  }
0x6c: {  	[bflag:$0x0] =	sbarrier.arrive $0xFFFF  }
0x6d: {  	p0 =	sne.s32 s1, $0x0;
	_ =	strace $0x90000047  }
0x6e: {  	s0 =	sadd.s32 @!p0 $0x100000, s0;
	[bflag:$0x2] =	sbarrier.arrive $0xFFFF  }
0x6f: {  	[sflag:s0] =	ssyncadd.tile.s32 @!p0 $0x1;
	_ =	shalt  }
.Lfunc_end2:
_tile_overlayer_lowered:
.L_overlay_start_2:
0x70: {  	(tag) =	ssettag $0x2  }
0x71: {  	s0 =	rddreg [dreg:$0x0];
	s2 =	stileid.u32  }
0x72: {  	s1 =	rddreg [dreg:$0x1];
	p0 =	sne.s32 s2, $0x0  }
0x73: {  	s3 =	rddreg [dreg:$0x2];
	[bflag:$0x3] =	sbarrier.arrive $0xFFFF;
	s2 =	simm.s32 @!p0 $0x1C01  }
0x74: {  	[timem:s3], [sflag:s2] =	dma.local @!p0 [hbm:s0], s1  }
0x75: {  	s0 =	simm.s32 @!p0 $0x1  }
0x76: {  	_ =	swait.ge @!p0 [sflag:s0], s1  }
0x77: {  	s1 =	ssub.s32 @!p0 $0x0, s1;
	[sflag:s0] =	ssyncset.done @!p0 $0x0  }
0x78: {  	[sflag:s0] =	ssyncadd.s32 @!p0 s1  }
0x79: {  	[bflag:$0x3] =	sbarrier.arrive $0xFFFF  }
0x7a: {  	_ =	shalt  }

</sc_bundles>
